<compile_context>
chip_gen: v7x
topology: tpu7x:2x2x1
jax: 0.10.2.dev20260603
libtpu: 0.0.44.dev20260713+nightly
codegen_flags: <defaults>
</compile_context>

<pallas_src>
import functools

import jax
import jax.numpy as jnp
from jax import lax
from jax.experimental import pallas as pl
from jax.experimental.pallas import tpu as pltpu
from jax.experimental.pallas import tpu_sc as plsc

N = 100000
K = 128
C = 128

NC = 2
NS = 16
NW = NC * NS
L = 16

RPW = 3128
RPW_LAST = N - 31 * RPW
CH = 256
NBUF = 3
FULL = RPW // CH
FULL_LAST = RPW_LAST // CH
TAIL = RPW - FULL * CH
TAIL_LAST = RPW_LAST - FULL_LAST * CH
IDXBUF = RPW + 16


def _table_body(em_ref, pr_ref, post_ref, ll_ref):
  em = em_ref[...]
  pr = pr_ref[...]
  num = em * pr
  den = jnp.sum(num, axis=1, keepdims=True)
  post = num / den
  post_ref[...] = post
  ll_ref[...] = jnp.sum(post * jnp.log(num), axis=1, keepdims=True)


_table = pl.pallas_call(
    _table_body,
    out_shape=(
        jax.ShapeDtypeStruct((K, C), jnp.float32),
        jax.ShapeDtypeStruct((K, 1), jnp.float32),
    ),
)


_sc_mesh = plsc.VectorSubcoreMesh(
    core_axis_name="c", subcore_axis_name="s", num_cores=NC, num_subcores=NS)


@functools.partial(
    pl.kernel,
    out_type=(
        jax.ShapeDtypeStruct((N, C), jnp.float32),
        jax.ShapeDtypeStruct((NW, L), jnp.float32),
    ),
    mesh=_sc_mesh,
    compiler_params=pltpu.CompilerParams(needs_layout_passes=False),
    scratch_types=[
        pltpu.VMEM((IDXBUF,), jnp.int32),
        pltpu.VMEM_SHARED((K, C), jnp.float32),
        pltpu.VMEM((NBUF * CH, C), jnp.float32),
        pltpu.VMEM((C,), jnp.float32),
        pltpu.VMEM((L,), jnp.float32),
        pltpu.SemaphoreType.DMA,
        pltpu.SemaphoreType.DMA,
        pltpu.SemaphoreType.DMA,
    ],
)
def _sc_gather(post_hbm, ll_hbm, labels_hbm, out_hbm, llp_hbm,
               idx_v, table_sh, stage_v, ll_v, acc_v, ssem, gsem, osem):
  wid = lax.axis_index("s") * NC + lax.axis_index("c")
  row_base = wid * RPW
  is_last = wid == NW - 1

  @pl.when(lax.axis_index("s") == 0)
  def _():
    pltpu.sync_copy(post_hbm, table_sh)

  c_ll = pltpu.async_copy(ll_hbm, ll_v, ssem)

  @pl.when(jnp.logical_not(is_last))
  def _():
    pltpu.async_copy(labels_hbm.at[pl.ds(row_base, RPW)],
                     idx_v.at[pl.ds(0, RPW)], ssem)
    idx_v[pl.ds(RPW, L)] = jnp.zeros((L,), jnp.int32)

  @pl.when(is_last)
  def _():
    pltpu.async_copy(labels_hbm.at[pl.ds(row_base, RPW_LAST)],
                     idx_v.at[pl.ds(0, RPW_LAST)], ssem)
    idx_v[pl.ds(RPW_LAST, L)] = jnp.zeros((L,), jnp.int32)

  c_ll.wait()
  plsc.subcore_barrier()

  @pl.when(jnp.logical_not(is_last))
  def _():
    pltpu.make_async_copy(labels_hbm.at[pl.ds(row_base, RPW)],
                          idx_v.at[pl.ds(0, RPW)], ssem).wait()

  @pl.when(is_last)
  def _():
    pltpu.make_async_copy(labels_hbm.at[pl.ds(row_base, RPW_LAST)],
                          idx_v.at[pl.ds(0, RPW_LAST)], ssem).wait()

  iota = lax.iota(jnp.int32, L)
  acc_v[...] = jnp.zeros((L,), jnp.float32)

  def acc_ll_range(base, nv):
    a = acc_v[...]
    for v in range(nv):
      a = a + plsc.load_gather(ll_v, [idx_v[pl.ds(base + v * L, L)]])
    acc_v[...] = a

  def gather_chunk_start(t, sbuf, nrows):
    for h in range(0, nrows, 128):
      w = min(128, nrows - h)
      pltpu.async_copy(table_sh.at[idx_v.at[pl.ds(t * CH + h, w)]],
                       stage_v.at[pl.ds(sbuf + h, w)], gsem)

  def gather_chunk_wait(t, sbuf, nrows):
    for h in range(0, nrows, 128):
      w = min(128, nrows - h)
      pltpu.make_async_copy(table_sh.at[idx_v.at[pl.ds(t * CH + h, w)]],
                            stage_v.at[pl.ds(sbuf + h, w)], gsem).wait()

  nfull = jnp.where(is_last, FULL_LAST, FULL)

  gather_chunk_start(0, 0, CH)

  def chunk_body(t, carry):
    sbuf = (t % NBUF) * CH
    nsbuf = ((t + 1) % NBUF) * CH
    gather_chunk_wait(t, sbuf, CH)

    @pl.when(t >= 2)
    def _():
      pltpu.make_async_copy(stage_v.at[pl.ds(((t - 2) % NBUF) * CH, CH)],
                            out_hbm.at[pl.ds(row_base + (t - 2) * CH, CH)],
                            osem).wait()

    @pl.when(t + 1 < nfull)
    def _():
      gather_chunk_start(t + 1, nsbuf, CH)

    pltpu.async_copy(stage_v.at[pl.ds(sbuf, CH)],
                     out_hbm.at[pl.ds(row_base + t * CH, CH)], osem)
    acc_ll_range(t * CH, CH // L)
    return carry

  lax.fori_loop(0, nfull, chunk_body, 0)

  tbuf = (nfull % NBUF) * CH

  @pl.when(jnp.logical_not(is_last))
  def _():
    roff = FULL * CH
    pltpu.async_copy(table_sh.at[idx_v.at[pl.ds(roff, TAIL)]],
                     stage_v.at[pl.ds(tbuf, TAIL)], gsem).wait()
    pltpu.async_copy(stage_v.at[pl.ds(tbuf, TAIL)],
                     out_hbm.at[pl.ds(row_base + roff, TAIL)], osem)

  @pl.when(is_last)
  def _():
    roff = FULL_LAST * CH
    pltpu.async_copy(table_sh.at[idx_v.at[pl.ds(roff, 128)]],
                     stage_v.at[pl.ds(tbuf, 128)], gsem)
    pltpu.async_copy(table_sh.at[idx_v.at[pl.ds(roff + 128, TAIL_LAST - 128)]],
                     stage_v.at[pl.ds(tbuf + 128, TAIL_LAST - 128)], gsem)
    pltpu.make_async_copy(table_sh.at[idx_v.at[pl.ds(roff, 128)]],
                          stage_v.at[pl.ds(tbuf, 128)], gsem).wait()
    pltpu.make_async_copy(
        table_sh.at[idx_v.at[pl.ds(roff + 128, TAIL_LAST - 128)]],
        stage_v.at[pl.ds(tbuf + 128, TAIL_LAST - 128)], gsem).wait()
    pltpu.async_copy(stage_v.at[pl.ds(tbuf, TAIL_LAST)],
                     out_hbm.at[pl.ds(row_base + roff, TAIL_LAST)], osem)

  @pl.when(jnp.logical_not(is_last))
  def _():
    acc_ll_range(FULL * CH, TAIL // L)

  @pl.when(is_last)
  def _():
    acc_ll_range(FULL_LAST * CH, TAIL_LAST // L)

  rem_base = jnp.where(is_last, RPW_LAST - 8, RPW - 8)
  g = plsc.load_gather(ll_v, [idx_v[pl.ds(rem_base - 8, L)]])
  a = acc_v[...] + jnp.where(iota >= 8, g, jnp.zeros((L,), jnp.float32))
  acc_v[...] = a
  pltpu.sync_copy(acc_v, llp_hbm.at[wid])

  for d in (2, 1):
    td = nfull - d
    pltpu.make_async_copy(stage_v.at[pl.ds((td % NBUF) * CH, CH)],
                          out_hbm.at[pl.ds(row_base + td * CH, CH)],
                          osem).wait()

  @pl.when(jnp.logical_not(is_last))
  def _():
    pltpu.make_async_copy(stage_v.at[pl.ds(tbuf, TAIL)],
                          out_hbm.at[pl.ds(row_base + FULL * CH, TAIL)],
                          osem).wait()

  @pl.when(is_last)
  def _():
    pltpu.make_async_copy(stage_v.at[pl.ds(tbuf, TAIL_LAST)],
                          out_hbm.at[pl.ds(row_base + FULL_LAST * CH,
                                           TAIL_LAST)], osem).wait()


def kernel(labels, prior, emission):
  post, ll2d = _table(emission, prior.reshape(1, C))
  ll = ll2d.reshape(C)
  out, llp = _sc_gather(post, ll, labels.astype(jnp.int32))
  return jnp.sum(llp), out

# --- scband reference (transcript-rebuilt; emitter-appended) ---
"""Pipeline reference for scband-cgmm-layer-52072183496830 (READ-ONLY COPY).

The authoritative reference and input builder live on the scoring server;
editing this copy changes nothing except your own understanding.
"""

import jax, jax.numpy as jnp
import numpy as np

N = 100000
K = 128
C = 128

def setup_inputs(seed: int = 0) -> dict:
    key = jax.random.key(seed)
    k1, k2, k3 = jax.random.split(key, 3)
    labels = jax.random.randint(k1, (N,), 0, K)
    pr = jax.random.uniform(k2, (C,), dtype=jnp.float32)
    prior = pr / pr.sum()
    em = jax.random.uniform(k3, (K, C), dtype=jnp.float32)
    emission = em / em.sum(axis=0, keepdims=True)  # each column sums to 1, matching torch init
    return {"labels": labels, "prior": prior, "emission": emission}

def reference(labels, prior, emission):
    # CGMM_Layer layer-0 E-step (the forward inference path for the base layer):
    # emission_for_labels = index_select(emission, dim=0, labels)
    emission_for_labels = jnp.take(emission, labels, axis=0)            # [N, C] gather
    numerator = emission_for_labels * jnp.reshape(prior, (1, C))        # [N, C]
    denominator = emission_for_labels @ jnp.reshape(prior, (C, 1))      # [N, 1]
    posterior_estimate = numerator / denominator                         # [N, C]
    likelihood = jnp.sum(posterior_estimate * jnp.log(numerator))        # scalar
    return (likelihood, posterior_estimate)

if __name__ == "__main__":
    import jax
    _d = setup_inputs()
    print(jax.jit(kernel)(*tuple(_d.values())))

</pallas_src>

<mosaic_0001>
#map = affine_map<(d0, d1) -> (0, 0)>
#map1 = affine_map<(d0, d1) -> (0)>
module attributes {stable_mosaic.version = 14 : i64} {
  func.func @_sc_gather(%arg0: i32, %arg1: i32, %arg2: memref<128x128xf32, #tpu.memory_space<hbm>>, %arg3: memref<128xf32, #tpu.memory_space<hbm>>, %arg4: memref<100000xi32, #tpu.memory_space<hbm>>, %arg5: memref<100000x128xf32, #tpu.memory_space<hbm>>, %arg6: memref<32x16xf32, #tpu.memory_space<hbm>>, %arg7: memref<3144xi32, #tpu.memory_space<vmem>>, %arg8: memref<128x128xf32, #tpu.memory_space<vmem_shared>>, %arg9: memref<768x128xf32, #tpu.memory_space<vmem>>, %arg10: memref<128xf32, #tpu.memory_space<vmem>>, %arg11: memref<16xf32, #tpu.memory_space<vmem>>, %arg12: memref<!tpu.dma_semaphore, #tpu.memory_space<semaphore_mem>>, %arg13: memref<!tpu.dma_semaphore, #tpu.memory_space<semaphore_mem>>, %arg14: memref<!tpu.dma_semaphore, #tpu.memory_space<semaphore_mem>>) attributes {dimension_semantics = [#tpu.dimension_semantics<core_parallel>, #tpu.dimension_semantics<subcore_parallel>], iteration_bounds = array<i64: 2, 16>, scalar_prefetch = 0 : i64, scratch_operands = 8 : i64, tpu.core_type = #tpu.core_type<sc_vector_subcore>, window_params = [{transform_indices = #map}, {transform_indices = #map1}, {transform_indices = #map1}, {transform_indices = #map}, {transform_indices = #map}]} {
    %mul3A = arith.constant 2 : i32
    %mul3A_0 = arith.muli %arg1, %mul3A : i32
    %add3A = arith.addi %mul3A_0, %arg0 : i32
    %mul3A_1 = arith.constant 3128 : i32
    %mul3A_2 = arith.muli %add3A, %mul3A_1 : i32
    %eq3A = arith.constant 31 : i32
    %eq3A_3 = arith.cmpi eq, %add3A, %eq3A : i32
    %eq3A_4 = arith.constant 0 : i32
    %eq3A_5 = arith.cmpi eq, %arg1, %eq3A_4 : i32
    %convert_element_type3A = arith.extui %eq3A_5 : i1 to i32
    %cond3A = arith.constant 0 : i32
    %cond3A_6 = arith.cmpi ne, %convert_element_type3A, %cond3A : i32
    scf.if %cond3A_6 {
      "tpu.region"() ({
        %run_scoped3A = tpu.sem_alloc : memref<!tpu.dma_semaphore, #tpu.memory_space<semaphore_mem>>
        tpu.enqueue_dma source(%arg2 : memref<128x128xf32, #tpu.memory_space<hbm>>) target(%arg8 : memref<128x128xf32, #tpu.memory_space<vmem_shared>>) target_semaphore(%run_scoped3A : memref<!tpu.dma_semaphore, #tpu.memory_space<semaphore_mem>>)
        tpu.wait_dma2 semaphore(%run_scoped3A : memref<!tpu.dma_semaphore, #tpu.memory_space<semaphore_mem>>) src(%arg2 : memref<128x128xf32, #tpu.memory_space<hbm>>) dst(%arg8 : memref<128x128xf32, #tpu.memory_space<vmem_shared>>)
        tpu.yield
      }) : () -> ()
    } else {
    }
    tpu.enqueue_dma source(%arg3 : memref<128xf32, #tpu.memory_space<hbm>>) target(%arg10 : memref<128xf32, #tpu.memory_space<vmem>>) target_semaphore(%arg12 : memref<!tpu.dma_semaphore, #tpu.memory_space<semaphore_mem>>)
    %not3A = arith.constant true
    %not3A_7 = arith.xori %eq3A_3, %not3A : i1
    %convert_element_type3A_8 = arith.extui %not3A_7 : i1 to i32
    %cond3A_9 = arith.constant 0 : i32
    %cond3A_10 = arith.cmpi ne, %convert_element_type3A_8, %cond3A_9 : i32
    scf.if %cond3A_10 {
      %dma_start3A_163 = arith.constant 0 : i32
      %dma_start3A_164 = tpu.memref_slice %arg7[%dma_start3A_163] : memref<3144xi32, #tpu.memory_space<vmem>> -> memref<3128xi32, #tpu.memory_space<vmem>>
      %dma_start3A_165 = tpu.memref_slice %arg4[%mul3A_2] : memref<100000xi32, #tpu.memory_space<hbm>> -> memref<3128xi32, #tpu.memory_space<hbm>>
      %dma_start3A_166 = arith.constant 0 : i32
      %dma_start3A_167 = tpu.memref_slice %arg7[%dma_start3A_166] : memref<3144xi32, #tpu.memory_space<vmem>> -> memref<3128xi32, #tpu.memory_space<vmem>>
      %dma_start3A_168 = tpu.memref_slice %arg4[%mul3A_2] : memref<100000xi32, #tpu.memory_space<hbm>> -> memref<3128xi32, #tpu.memory_space<hbm>>
      tpu.enqueue_dma source(%dma_start3A_168 : memref<3128xi32, #tpu.memory_space<hbm>>) target(%dma_start3A_167 : memref<3128xi32, #tpu.memory_space<vmem>>) target_semaphore(%arg12 : memref<!tpu.dma_semaphore, #tpu.memory_space<semaphore_mem>>)
      %broadcast_in_dim3A_169 = arith.constant 0 : i32
      %broadcast_in_dim3A_170 = vector.broadcast %broadcast_in_dim3A_169 : i32 to vector<16xi32>
      %swap3A_171 = arith.constant 3128 : index
      %swap3A_172 = tpu.vector_load %arg7[%swap3A_171] {strides = array<i32>} : memref<3144xi32, #tpu.memory_space<vmem>>, vector<16xi32>,
      tpu.vector_store %arg7[%swap3A_171], %broadcast_in_dim3A_170 {strides = array<i32>} : memref<3144xi32, #tpu.memory_space<vmem>>, vector<16xi32>,
    } else {
    }
    %convert_element_type3A_11 = arith.extui %eq3A_3 : i1 to i32
    %cond3A_12 = arith.constant 0 : i32
    %cond3A_13 = arith.cmpi ne, %convert_element_type3A_11, %cond3A_12 : i32
    scf.if %cond3A_13 {
      %dma_start3A_163 = arith.constant 0 : i32
      %dma_start3A_164 = tpu.memref_slice %arg7[%dma_start3A_163] : memref<3144xi32, #tpu.memory_space<vmem>> -> memref<3032xi32, #tpu.memory_space<vmem>>
      %dma_start3A_165 = tpu.memref_slice %arg4[%mul3A_2] : memref<100000xi32, #tpu.memory_space<hbm>> -> memref<3032xi32, #tpu.memory_space<hbm>>
      %dma_start3A_166 = arith.constant 0 : i32
      %dma_start3A_167 = tpu.memref_slice %arg7[%dma_start3A_166] : memref<3144xi32, #tpu.memory_space<vmem>> -> memref<3032xi32, #tpu.memory_space<vmem>>
      %dma_start3A_168 = tpu.memref_slice %arg4[%mul3A_2] : memref<100000xi32, #tpu.memory_space<hbm>> -> memref<3032xi32, #tpu.memory_space<hbm>>
      tpu.enqueue_dma source(%dma_start3A_168 : memref<3032xi32, #tpu.memory_space<hbm>>) target(%dma_start3A_167 : memref<3032xi32, #tpu.memory_space<vmem>>) target_semaphore(%arg12 : memref<!tpu.dma_semaphore, #tpu.memory_space<semaphore_mem>>)
      %broadcast_in_dim3A_169 = arith.constant 0 : i32
      %broadcast_in_dim3A_170 = vector.broadcast %broadcast_in_dim3A_169 : i32 to vector<16xi32>
      %swap3A_171 = arith.constant 3032 : index
      %swap3A_172 = tpu.vector_load %arg7[%swap3A_171] {strides = array<i32>} : memref<3144xi32, #tpu.memory_space<vmem>>, vector<16xi32>,
      tpu.vector_store %arg7[%swap3A_171], %broadcast_in_dim3A_170 {strides = array<i32>} : memref<3144xi32, #tpu.memory_space<vmem>>, vector<16xi32>,
    } else {
    }
    tpu.wait_dma2 semaphore(%arg12 : memref<!tpu.dma_semaphore, #tpu.memory_space<semaphore_mem>>) src(%arg3 : memref<128xf32, #tpu.memory_space<hbm>>) dst(%arg10 : memref<128xf32, #tpu.memory_space<vmem>>)
    %barrier3A = arith.constant 0 : index
    tpu.barrier barrier_id(%barrier3A)
    %not3A_14 = arith.constant true
    %not3A_15 = arith.xori %eq3A_3, %not3A_14 : i1
    %convert_element_type3A_16 = arith.extui %not3A_15 : i1 to i32
    %cond3A_17 = arith.constant 0 : i32
    %cond3A_18 = arith.cmpi ne, %convert_element_type3A_16, %cond3A_17 : i32
    scf.if %cond3A_18 {
      %dma_wait3A_163 = arith.constant 0 : i32
      %dma_wait3A_164 = tpu.memref_slice %arg7[%dma_wait3A_163] : memref<3144xi32, #tpu.memory_space<vmem>> -> memref<3128xi32, #tpu.memory_space<vmem>>
      %dma_wait3A_165 = tpu.memref_slice %arg4[%mul3A_2] : memref<100000xi32, #tpu.memory_space<hbm>> -> memref<3128xi32, #tpu.memory_space<hbm>>
      %dma_wait3A_166 = arith.constant 0 : i32
      %dma_wait3A_167 = tpu.memref_slice %arg7[%dma_wait3A_166] : memref<3144xi32, #tpu.memory_space<vmem>> -> memref<3128xi32, #tpu.memory_space<vmem>>
      %dma_wait3A_168 = tpu.memref_slice %arg4[%mul3A_2] : memref<100000xi32, #tpu.memory_space<hbm>> -> memref<3128xi32, #tpu.memory_space<hbm>>
      tpu.wait_dma2 semaphore(%arg12 : memref<!tpu.dma_semaphore, #tpu.memory_space<semaphore_mem>>) src(%dma_wait3A_168 : memref<3128xi32, #tpu.memory_space<hbm>>) dst(%dma_wait3A_167 : memref<3128xi32, #tpu.memory_space<vmem>>)
    } else {
    }
    %convert_element_type3A_19 = arith.extui %eq3A_3 : i1 to i32
    %cond3A_20 = arith.constant 0 : i32
    %cond3A_21 = arith.cmpi ne, %convert_element_type3A_19, %cond3A_20 : i32
    scf.if %cond3A_21 {
      %dma_wait3A_163 = arith.constant 0 : i32
      %dma_wait3A_164 = tpu.memref_slice %arg7[%dma_wait3A_163] : memref<3144xi32, #tpu.memory_space<vmem>> -> memref<3032xi32, #tpu.memory_space<vmem>>
      %dma_wait3A_165 = tpu.memref_slice %arg4[%mul3A_2] : memref<100000xi32, #tpu.memory_space<hbm>> -> memref<3032xi32, #tpu.memory_space<hbm>>
      %dma_wait3A_166 = arith.constant 0 : i32
      %dma_wait3A_167 = tpu.memref_slice %arg7[%dma_wait3A_166] : memref<3144xi32, #tpu.memory_space<vmem>> -> memref<3032xi32, #tpu.memory_space<vmem>>
      %dma_wait3A_168 = tpu.memref_slice %arg4[%mul3A_2] : memref<100000xi32, #tpu.memory_space<hbm>> -> memref<3032xi32, #tpu.memory_space<hbm>>
      tpu.wait_dma2 semaphore(%arg12 : memref<!tpu.dma_semaphore, #tpu.memory_space<semaphore_mem>>) src(%dma_wait3A_168 : memref<3032xi32, #tpu.memory_space<hbm>>) dst(%dma_wait3A_167 : memref<3032xi32, #tpu.memory_space<vmem>>)
    } else {
    }
    %iota3A = tpu.iota {dimensions = array<i32: 0>} : vector<16xi32>
    %broadcast_in_dim3A = arith.constant 0.000000e+00 : f32
    %broadcast_in_dim3A_22 = vector.broadcast %broadcast_in_dim3A : f32 to vector<16xf32>
    %swap3A = arith.constant 0 : index
    %swap3A_23 = tpu.vector_load %arg11[%swap3A] {strides = array<i32>} : memref<16xf32, #tpu.memory_space<vmem>>, vector<16xf32>,
    tpu.vector_store %arg11[%swap3A], %broadcast_in_dim3A_22 {strides = array<i32>} : memref<16xf32, #tpu.memory_space<vmem>>, vector<16xf32>,
    %jit3A = arith.constant 11 : i32
    %jit3A_24 = arith.constant 12 : i32
    %select_n3A = arith.select %eq3A_3, %jit3A, %jit3A_24 : i32
    %dma_start3A = arith.constant 0 : i32
    %dma_start3A_25 = arith.constant 0 : i32
    %dma_start3A_26 = tpu.memref_slice %arg9[%dma_start3A, %dma_start3A_25] : memref<768x128xf32, #tpu.memory_space<vmem>> -> memref<128x128xf32, #tpu.memory_space<vmem>>
    %dma_start3A_27 = arith.constant 0 : i32
    %dma_start3A_28 = tpu.memref_slice %arg7[%dma_start3A_27] : memref<3144xi32, #tpu.memory_space<vmem>> -> memref<128xi32, #tpu.memory_space<vmem>>
    %dma_start3A_29 = arith.constant 0 : i32
    %dma_start3A_30 = arith.constant 0 : i32
    %dma_start3A_31 = tpu.memref_slice %arg8[%dma_start3A_29, %dma_start3A_30] : memref<128x128xf32, #tpu.memory_space<vmem_shared>> -> memref<128x128xf32, #tpu.memory_space<vmem_shared>>
    tpu.enqueue_indirect_dma source(%dma_start3A_31 : memref<128x128xf32, #tpu.memory_space<vmem_shared>>) target(%dma_start3A_26 : memref<128x128xf32, #tpu.memory_space<vmem>>) offsets(%dma_start3A_28 : memref<128xi32, #tpu.memory_space<vmem>>) semaphore(%arg13 : memref<!tpu.dma_semaphore, #tpu.memory_space<semaphore_mem>>)
    %dma_start3A_32 = arith.constant 128 : i32
    %dma_start3A_33 = arith.constant 0 : i32
    %dma_start3A_34 = tpu.memref_slice %arg9[%dma_start3A_32, %dma_start3A_33] : memref<768x128xf32, #tpu.memory_space<vmem>> -> memref<128x128xf32, #tpu.memory_space<vmem>>
    %dma_start3A_35 = arith.constant 128 : i32
    %dma_start3A_36 = tpu.memref_slice %arg7[%dma_start3A_35] : memref<3144xi32, #tpu.memory_space<vmem>> -> memref<128xi32, #tpu.memory_space<vmem>>
    %dma_start3A_37 = arith.constant 0 : i32
    %dma_start3A_38 = arith.constant 0 : i32
    %dma_start3A_39 = tpu.memref_slice %arg8[%dma_start3A_37, %dma_start3A_38] : memref<128x128xf32, #tpu.memory_space<vmem_shared>> -> memref<128x128xf32, #tpu.memory_space<vmem_shared>>
    tpu.enqueue_indirect_dma source(%dma_start3A_39 : memref<128x128xf32, #tpu.memory_space<vmem_shared>>) target(%dma_start3A_34 : memref<128x128xf32, #tpu.memory_space<vmem>>) offsets(%dma_start3A_36 : memref<128xi32, #tpu.memory_space<vmem>>) semaphore(%arg13 : memref<!tpu.dma_semaphore, #tpu.memory_space<semaphore_mem>>)
    %while3A = arith.constant 0 : i32
    %while3A_40 = arith.constant 0 : i32
    %while3A_41 = arith.subi %select_n3A, %while3A_40 : i32
    %while3A_42 = arith.addi %while3A_40, %while3A_41 : i32
    %while3A_43 = arith.constant 1 : i32
    %while3A_44 = arith.divsi %while3A_41, %while3A_43 : i32
    %while3A_45 = arith.muli %while3A_44, %while3A_43 : i32
    %while3A_46 = arith.addi %while3A_40, %while3A_45 : i32
    %while3A_47 = arith.constant 1 : i32
    scf.for %while3A_163 = %while3A_40 to %while3A_46 step %while3A_47  : i32 {
      %jit3A_164 = arith.constant 3 : i32
      %eq3A_165 = arith.constant 0 : i32
      %eq3A_166 = arith.cmpi eq, %jit3A_164, %eq3A_165 : i32
      %jit3A_167 = arith.constant 1 : i32
      %select_n3A_168 = arith.select %eq3A_166, %jit3A_167, %jit3A_164 : i32
      %rem3A_169 = arith.remsi %while3A_163, %select_n3A_168 : i32
      %ne3A_170 = arith.constant 0 : i32
      %ne3A_171 = arith.cmpi ne, %rem3A_169, %ne3A_170 : i32
      %lt3A_172 = arith.constant 0 : i32
      %lt3A_173 = arith.cmpi slt, %rem3A_169, %lt3A_172 : i32
      %lt3A_174 = arith.constant 0 : i32
      %lt3A_175 = arith.cmpi slt, %select_n3A_168, %lt3A_174 : i32
      %ne3A_176 = arith.xori %lt3A_173, %lt3A_175 : i1
      %and3A_177 = arith.andi %ne3A_176, %ne3A_171 : i1
      %add3A_178 = arith.addi %rem3A_169, %select_n3A_168 : i32
      %select_n3A_179 = arith.select %and3A_177, %add3A_178, %rem3A_169 : i32
      %mul3A_180 = arith.constant 256 : i32
      %mul3A_181 = arith.muli %select_n3A_179, %mul3A_180 : i32
      %add3A_182 = arith.constant 1 : i32
      %add3A_183 = arith.addi %while3A_163, %add3A_182 : i32
      %jit3A_184 = arith.constant 3 : i32
      %eq3A_185 = arith.constant 0 : i32
      %eq3A_186 = arith.cmpi eq, %jit3A_184, %eq3A_185 : i32
      %jit3A_187 = arith.constant 1 : i32
      %select_n3A_188 = arith.select %eq3A_186, %jit3A_187, %jit3A_184 : i32
      %rem3A_189 = arith.remsi %add3A_183, %select_n3A_188 : i32
      %ne3A_190 = arith.constant 0 : i32
      %ne3A_191 = arith.cmpi ne, %rem3A_189, %ne3A_190 : i32
      %lt3A_192 = arith.constant 0 : i32
      %lt3A_193 = arith.cmpi slt, %rem3A_189, %lt3A_192 : i32
      %lt3A_194 = arith.constant 0 : i32
      %lt3A_195 = arith.cmpi slt, %select_n3A_188, %lt3A_194 : i32
      %ne3A_196 = arith.xori %lt3A_193, %lt3A_195 : i1
      %and3A_197 = arith.andi %ne3A_196, %ne3A_191 : i1
      %add3A_198 = arith.addi %rem3A_189, %select_n3A_188 : i32
      %select_n3A_199 = arith.select %and3A_197, %add3A_198, %rem3A_189 : i32
      %mul3A_200 = arith.constant 256 : i32
      %mul3A_201 = arith.muli %select_n3A_199, %mul3A_200 : i32
      %mul3A_202 = arith.constant 256 : i32
      %mul3A_203 = arith.muli %while3A_163, %mul3A_202 : i32
      %add3A_204 = arith.constant 0 : i32
      %add3A_205 = arith.addi %mul3A_203, %add3A_204 : i32
      %add3A_206 = arith.constant 0 : i32
      %add3A_207 = arith.addi %mul3A_181, %add3A_206 : i32
      %dma_wait3A_208 = arith.constant 0 : i32
      %dma_wait3A_209 = tpu.memref_slice %arg9[%add3A_207, %dma_wait3A_208] : memref<768x128xf32, #tpu.memory_space<vmem>> -> memref<128x128xf32, #tpu.memory_space<vmem>>
      %dma_wait3A_210 = tpu.memref_slice %arg7[%add3A_205] : memref<3144xi32, #tpu.memory_space<vmem>> -> memref<128xi32, #tpu.memory_space<vmem>>
      %dma_wait3A_211 = arith.constant 0 : i32
      %dma_wait3A_212 = arith.constant 0 : i32
      %dma_wait3A_213 = tpu.memref_slice %arg8[%dma_wait3A_211, %dma_wait3A_212] : memref<128x128xf32, #tpu.memory_space<vmem_shared>> -> memref<128x128xf32, #tpu.memory_space<vmem_shared>>
      tpu.wait_indirect_dma semaphore(%arg13 : memref<!tpu.dma_semaphore, #tpu.memory_space<semaphore_mem>>) src(%dma_wait3A_213 : memref<128x128xf32, #tpu.memory_space<vmem_shared>>) dst(%dma_wait3A_209 : memref<128x128xf32, #tpu.memory_space<vmem>>)
      %mul3A_214 = arith.constant 256 : i32
      %mul3A_215 = arith.muli %while3A_163, %mul3A_214 : i32
      %add3A_216 = arith.constant 128 : i32
      %add3A_217 = arith.addi %mul3A_215, %add3A_216 : i32
      %add3A_218 = arith.constant 128 : i32
      %add3A_219 = arith.addi %mul3A_181, %add3A_218 : i32
      %dma_wait3A_220 = arith.constant 0 : i32
      %dma_wait3A_221 = tpu.memref_slice %arg9[%add3A_219, %dma_wait3A_220] : memref<768x128xf32, #tpu.memory_space<vmem>> -> memref<128x128xf32, #tpu.memory_space<vmem>>
      %dma_wait3A_222 = tpu.memref_slice %arg7[%add3A_217] : memref<3144xi32, #tpu.memory_space<vmem>> -> memref<128xi32, #tpu.memory_space<vmem>>
      %dma_wait3A_223 = arith.constant 0 : i32
      %dma_wait3A_224 = arith.constant 0 : i32
      %dma_wait3A_225 = tpu.memref_slice %arg8[%dma_wait3A_223, %dma_wait3A_224] : memref<128x128xf32, #tpu.memory_space<vmem_shared>> -> memref<128x128xf32, #tpu.memory_space<vmem_shared>>
      tpu.wait_indirect_dma semaphore(%arg13 : memref<!tpu.dma_semaphore, #tpu.memory_space<semaphore_mem>>) src(%dma_wait3A_225 : memref<128x128xf32, #tpu.memory_space<vmem_shared>>) dst(%dma_wait3A_221 : memref<128x128xf32, #tpu.memory_space<vmem>>)
      %ge3A_226 = arith.constant 2 : i32
      %ge3A_227 = arith.cmpi sge, %while3A_163, %ge3A_226 : i32
      %convert_element_type3A_228 = arith.extui %ge3A_227 : i1 to i32
      %cond3A_229 = arith.constant 0 : i32
      %cond3A_230 = arith.cmpi ne, %convert_element_type3A_228, %cond3A_229 : i32
      scf.if %cond3A_230 {
        %sub3A_350 = arith.constant 2 : i32
        %sub3A_351 = arith.subi %while3A_163, %sub3A_350 : i32
        %jit3A_352 = arith.constant 3 : i32
        %eq3A_353 = arith.constant 0 : i32
        %eq3A_354 = arith.cmpi eq, %jit3A_352, %eq3A_353 : i32
        %jit3A_355 = arith.constant 1 : i32
        %select_n3A_356 = arith.select %eq3A_354, %jit3A_355, %jit3A_352 : i32
        %rem3A_357 = arith.remsi %sub3A_351, %select_n3A_356 : i32
        %ne3A_358 = arith.constant 0 : i32
        %ne3A_359 = arith.cmpi ne, %rem3A_357, %ne3A_358 : i32
        %lt3A_360 = arith.constant 0 : i32
        %lt3A_361 = arith.cmpi slt, %rem3A_357, %lt3A_360 : i32
        %lt3A_362 = arith.constant 0 : i32
        %lt3A_363 = arith.cmpi slt, %select_n3A_356, %lt3A_362 : i32
        %ne3A_364 = arith.xori %lt3A_361, %lt3A_363 : i1
        %and3A_365 = arith.andi %ne3A_364, %ne3A_359 : i1
        %add3A_366 = arith.addi %rem3A_357, %select_n3A_356 : i32
        %select_n3A_367 = arith.select %and3A_365, %add3A_366, %rem3A_357 : i32
        %mul3A_368 = arith.constant 256 : i32
        %mul3A_369 = arith.muli %select_n3A_367, %mul3A_368 : i32
        %sub3A_370 = arith.constant 2 : i32
        %sub3A_371 = arith.subi %while3A_163, %sub3A_370 : i32
        %mul3A_372 = arith.constant 256 : i32
        %mul3A_373 = arith.muli %sub3A_371, %mul3A_372 : i32
        %add3A_374 = arith.addi %mul3A_2, %mul3A_373 : i32
        %dma_wait3A_375 = arith.constant 0 : i32
        %dma_wait3A_376 = tpu.memref_slice %arg9[%mul3A_369, %dma_wait3A_375] : memref<768x128xf32, #tpu.memory_space<vmem>> -> memref<256x128xf32, #tpu.memory_space<vmem>>
        %dma_wait3A_377 = arith.constant 0 : i32
        %dma_wait3A_378 = tpu.memref_slice %arg5[%add3A_374, %dma_wait3A_377] : memref<100000x128xf32, #tpu.memory_space<hbm>> -> memref<256x128xf32, #tpu.memory_space<hbm>>
        %dma_wait3A_379 = arith.constant 0 : i32
        %dma_wait3A_380 = tpu.memref_slice %arg5[%add3A_374, %dma_wait3A_379] : memref<100000x128xf32, #tpu.memory_space<hbm>> -> memref<256x128xf32, #tpu.memory_space<hbm>>
        %dma_wait3A_381 = arith.constant 0 : i32
        %dma_wait3A_382 = tpu.memref_slice %arg9[%mul3A_369, %dma_wait3A_381] : memref<768x128xf32, #tpu.memory_space<vmem>> -> memref<256x128xf32, #tpu.memory_space<vmem>>
        tpu.wait_dma2 semaphore(%arg14 : memref<!tpu.dma_semaphore, #tpu.memory_space<semaphore_mem>>) src(%dma_wait3A_382 : memref<256x128xf32, #tpu.memory_space<vmem>>) dst(%dma_wait3A_380 : memref<256x128xf32, #tpu.memory_space<hbm>>)
      } else {
      }
      %add3A_231 = arith.constant 1 : i32
      %add3A_232 = arith.addi %while3A_163, %add3A_231 : i32
      %lt3A_233 = arith.cmpi slt, %add3A_232, %select_n3A : i32
      %convert_element_type3A_234 = arith.extui %lt3A_233 : i1 to i32
      %cond3A_235 = arith.constant 0 : i32
      %cond3A_236 = arith.cmpi ne, %convert_element_type3A_234, %cond3A_235 : i32
      scf.if %cond3A_236 {
        %add3A_350 = arith.constant 1 : i32
        %add3A_351 = arith.addi %while3A_163, %add3A_350 : i32
        %mul3A_352 = arith.constant 256 : i32
        %mul3A_353 = arith.muli %add3A_351, %mul3A_352 : i32
        %add3A_354 = arith.constant 0 : i32
        %add3A_355 = arith.addi %mul3A_353, %add3A_354 : i32
        %add3A_356 = arith.constant 0 : i32
        %add3A_357 = arith.addi %mul3A_201, %add3A_356 : i32
        %dma_start3A_358 = arith.constant 0 : i32
        %dma_start3A_359 = tpu.memref_slice %arg9[%add3A_357, %dma_start3A_358] : memref<768x128xf32, #tpu.memory_space<vmem>> -> memref<128x128xf32, #tpu.memory_space<vmem>>
        %dma_start3A_360 = tpu.memref_slice %arg7[%add3A_355] : memref<3144xi32, #tpu.memory_space<vmem>> -> memref<128xi32, #tpu.memory_space<vmem>>
        %dma_start3A_361 = arith.constant 0 : i32
        %dma_start3A_362 = arith.constant 0 : i32
        %dma_start3A_363 = tpu.memref_slice %arg8[%dma_start3A_361, %dma_start3A_362] : memref<128x128xf32, #tpu.memory_space<vmem_shared>> -> memref<128x128xf32, #tpu.memory_space<vmem_shared>>
        tpu.enqueue_indirect_dma source(%dma_start3A_363 : memref<128x128xf32, #tpu.memory_space<vmem_shared>>) target(%dma_start3A_359 : memref<128x128xf32, #tpu.memory_space<vmem>>) offsets(%dma_start3A_360 : memref<128xi32, #tpu.memory_space<vmem>>) semaphore(%arg13 : memref<!tpu.dma_semaphore, #tpu.memory_space<semaphore_mem>>)
        %mul3A_364 = arith.constant 256 : i32
        %mul3A_365 = arith.muli %add3A_351, %mul3A_364 : i32
        %add3A_366 = arith.constant 128 : i32
        %add3A_367 = arith.addi %mul3A_365, %add3A_366 : i32
        %add3A_368 = arith.constant 128 : i32
        %add3A_369 = arith.addi %mul3A_201, %add3A_368 : i32
        %dma_start3A_370 = arith.constant 0 : i32
        %dma_start3A_371 = tpu.memref_slice %arg9[%add3A_369, %dma_start3A_370] : memref<768x128xf32, #tpu.memory_space<vmem>> -> memref<128x128xf32, #tpu.memory_space<vmem>>
        %dma_start3A_372 = tpu.memref_slice %arg7[%add3A_367] : memref<3144xi32, #tpu.memory_space<vmem>> -> memref<128xi32, #tpu.memory_space<vmem>>
        %dma_start3A_373 = arith.constant 0 : i32
        %dma_start3A_374 = arith.constant 0 : i32
        %dma_start3A_375 = tpu.memref_slice %arg8[%dma_start3A_373, %dma_start3A_374] : memref<128x128xf32, #tpu.memory_space<vmem_shared>> -> memref<128x128xf32, #tpu.memory_space<vmem_shared>>
        tpu.enqueue_indirect_dma source(%dma_start3A_375 : memref<128x128xf32, #tpu.memory_space<vmem_shared>>) target(%dma_start3A_371 : memref<128x128xf32, #tpu.memory_space<vmem>>) offsets(%dma_start3A_372 : memref<128xi32, #tpu.memory_space<vmem>>) semaphore(%arg13 : memref<!tpu.dma_semaphore, #tpu.memory_space<semaphore_mem>>)
      } else {
      }
      %mul3A_237 = arith.constant 256 : i32
      %mul3A_238 = arith.muli %while3A_163, %mul3A_237 : i32
      %add3A_239 = arith.addi %mul3A_2, %mul3A_238 : i32
      %dma_start3A_240 = arith.constant 0 : i32
      %dma_start3A_241 = tpu.memref_slice %arg9[%mul3A_181, %dma_start3A_240] : memref<768x128xf32, #tpu.memory_space<vmem>> -> memref<256x128xf32, #tpu.memory_space<vmem>>
      %dma_start3A_242 = arith.constant 0 : i32
      %dma_start3A_243 = tpu.memref_slice %arg5[%add3A_239, %dma_start3A_242] : memref<100000x128xf32, #tpu.memory_space<hbm>> -> memref<256x128xf32, #tpu.memory_space<hbm>>
      %dma_start3A_244 = arith.constant 0 : i32
      %dma_start3A_245 = tpu.memref_slice %arg5[%add3A_239, %dma_start3A_244] : memref<100000x128xf32, #tpu.memory_space<hbm>> -> memref<256x128xf32, #tpu.memory_space<hbm>>
      %dma_start3A_246 = arith.constant 0 : i32
      %dma_start3A_247 = tpu.memref_slice %arg9[%mul3A_181, %dma_start3A_246] : memref<768x128xf32, #tpu.memory_space<vmem>> -> memref<256x128xf32, #tpu.memory_space<vmem>>
      tpu.enqueue_dma source(%dma_start3A_247 : memref<256x128xf32, #tpu.memory_space<vmem>>) target(%dma_start3A_245 : memref<256x128xf32, #tpu.memory_space<hbm>>) target_semaphore(%arg14 : memref<!tpu.dma_semaphore, #tpu.memory_space<semaphore_mem>>)
      %mul3A_248 = arith.constant 256 : i32
      %mul3A_249 = arith.muli %while3A_163, %mul3A_248 : i32
      %get3A_250 = arith.constant 0 : index
      %get3A_251 = tpu.vector_load %arg11[%get3A_250] {strides = array<i32>} : memref<16xf32, #tpu.memory_space<vmem>>, vector<16xf32>,
      %add3A_252 = arith.constant 0 : i32
      %add3A_253 = arith.addi %mul3A_249, %add3A_252 : i32
      %get3A_254 = arith.index_cast %add3A_253 : i32 to index
      %get3A_255 = tpu.vector_load %arg7[%get3A_254] {strides = array<i32>} : memref<3144xi32, #tpu.memory_space<vmem>>, vector<16xi32>,
      %gather3A_256 = tpu.vector_load_idx %arg10[%get3A_255] : memref<128xf32, #tpu.memory_space<vmem>>[vector<16xi32>], vector<16xf32>,
      %add3A_257 = arith.addf %get3A_251, %gather3A_256 : vector<16xf32>
      %add3A_258 = arith.constant 16 : i32
      %add3A_259 = arith.addi %mul3A_249, %add3A_258 : i32
      %get3A_260 = arith.index_cast %add3A_259 : i32 to index
      %get3A_261 = tpu.vector_load %arg7[%get3A_260] {strides = array<i32>} : memref<3144xi32, #tpu.memory_space<vmem>>, vector<16xi32>,
      %gather3A_262 = tpu.vector_load_idx %arg10[%get3A_261] : memref<128xf32, #tpu.memory_space<vmem>>[vector<16xi32>], vector<16xf32>,
      %add3A_263 = arith.addf %add3A_257, %gather3A_262 : vector<16xf32>
      %add3A_264 = arith.constant 32 : i32
      %add3A_265 = arith.addi %mul3A_249, %add3A_264 : i32
      %get3A_266 = arith.index_cast %add3A_265 : i32 to index
      %get3A_267 = tpu.vector_load %arg7[%get3A_266] {strides = array<i32>} : memref<3144xi32, #tpu.memory_space<vmem>>, vector<16xi32>,
      %gather3A_268 = tpu.vector_load_idx %arg10[%get3A_267] : memref<128xf32, #tpu.memory_space<vmem>>[vector<16xi32>], vector<16xf32>,
      %add3A_269 = arith.addf %add3A_263, %gather3A_268 : vector<16xf32>
      %add3A_270 = arith.constant 48 : i32
      %add3A_271 = arith.addi %mul3A_249, %add3A_270 : i32
      %get3A_272 = arith.index_cast %add3A_271 : i32 to index
      %get3A_273 = tpu.vector_load %arg7[%get3A_272] {strides = array<i32>} : memref<3144xi32, #tpu.memory_space<vmem>>, vector<16xi32>,
      %gather3A_274 = tpu.vector_load_idx %arg10[%get3A_273] : memref<128xf32, #tpu.memory_space<vmem>>[vector<16xi32>], vector<16xf32>,
      %add3A_275 = arith.addf %add3A_269, %gather3A_274 : vector<16xf32>
      %add3A_276 = arith.constant 64 : i32
      %add3A_277 = arith.addi %mul3A_249, %add3A_276 : i32
      %get3A_278 = arith.index_cast %add3A_277 : i32 to index
      %get3A_279 = tpu.vector_load %arg7[%get3A_278] {strides = array<i32>} : memref<3144xi32, #tpu.memory_space<vmem>>, vector<16xi32>,
      %gather3A_280 = tpu.vector_load_idx %arg10[%get3A_279] : memref<128xf32, #tpu.memory_space<vmem>>[vector<16xi32>], vector<16xf32>,
      %add3A_281 = arith.addf %add3A_275, %gather3A_280 : vector<16xf32>
      %add3A_282 = arith.constant 80 : i32
      %add3A_283 = arith.addi %mul3A_249, %add3A_282 : i32
      %get3A_284 = arith.index_cast %add3A_283 : i32 to index
      %get3A_285 = tpu.vector_load %arg7[%get3A_284] {strides = array<i32>} : memref<3144xi32, #tpu.memory_space<vmem>>, vector<16xi32>,
      %gather3A_286 = tpu.vector_load_idx %arg10[%get3A_285] : memref<128xf32, #tpu.memory_space<vmem>>[vector<16xi32>], vector<16xf32>,
      %add3A_287 = arith.addf %add3A_281, %gather3A_286 : vector<16xf32>
      %add3A_288 = arith.constant 96 : i32
      %add3A_289 = arith.addi %mul3A_249, %add3A_288 : i32
      %get3A_290 = arith.index_cast %add3A_289 : i32 to index
      %get3A_291 = tpu.vector_load %arg7[%get3A_290] {strides = array<i32>} : memref<3144xi32, #tpu.memory_space<vmem>>, vector<16xi32>,
      %gather3A_292 = tpu.vector_load_idx %arg10[%get3A_291] : memref<128xf32, #tpu.memory_space<vmem>>[vector<16xi32>], vector<16xf32>,
      %add3A_293 = arith.addf %add3A_287, %gather3A_292 : vector<16xf32>
      %add3A_294 = arith.constant 112 : i32
      %add3A_295 = arith.addi %mul3A_249, %add3A_294 : i32
      %get3A_296 = arith.index_cast %add3A_295 : i32 to index
      %get3A_297 = tpu.vector_load %arg7[%get3A_296] {strides = array<i32>} : memref<3144xi32, #tpu.memory_space<vmem>>, vector<16xi32>,
      %gather3A_298 = tpu.vector_load_idx %arg10[%get3A_297] : memref<128xf32, #tpu.memory_space<vmem>>[vector<16xi32>], vector<16xf32>,
      %add3A_299 = arith.addf %add3A_293, %gather3A_298 : vector<16xf32>
      %add3A_300 = arith.constant 128 : i32
      %add3A_301 = arith.addi %mul3A_249, %add3A_300 : i32
      %get3A_302 = arith.index_cast %add3A_301 : i32 to index
      %get3A_303 = tpu.vector_load %arg7[%get3A_302] {strides = array<i32>} : memref<3144xi32, #tpu.memory_space<vmem>>, vector<16xi32>,
      %gather3A_304 = tpu.vector_load_idx %arg10[%get3A_303] : memref<128xf32, #tpu.memory_space<vmem>>[vector<16xi32>], vector<16xf32>,
      %add3A_305 = arith.addf %add3A_299, %gather3A_304 : vector<16xf32>
      %add3A_306 = arith.constant 144 : i32
      %add3A_307 = arith.addi %mul3A_249, %add3A_306 : i32
      %get3A_308 = arith.index_cast %add3A_307 : i32 to index
      %get3A_309 = tpu.vector_load %arg7[%get3A_308] {strides = array<i32>} : memref<3144xi32, #tpu.memory_space<vmem>>, vector<16xi32>,
      %gather3A_310 = tpu.vector_load_idx %arg10[%get3A_309] : memref<128xf32, #tpu.memory_space<vmem>>[vector<16xi32>], vector<16xf32>,
      %add3A_311 = arith.addf %add3A_305, %gather3A_310 : vector<16xf32>
      %add3A_312 = arith.constant 160 : i32
      %add3A_313 = arith.addi %mul3A_249, %add3A_312 : i32
      %get3A_314 = arith.index_cast %add3A_313 : i32 to index
      %get3A_315 = tpu.vector_load %arg7[%get3A_314] {strides = array<i32>} : memref<3144xi32, #tpu.memory_space<vmem>>, vector<16xi32>,
      %gather3A_316 = tpu.vector_load_idx %arg10[%get3A_315] : memref<128xf32, #tpu.memory_space<vmem>>[vector<16xi32>], vector<16xf32>,
      %add3A_317 = arith.addf %add3A_311, %gather3A_316 : vector<16xf32>
      %add3A_318 = arith.constant 176 : i32
      %add3A_319 = arith.addi %mul3A_249, %add3A_318 : i32
      %get3A_320 = arith.index_cast %add3A_319 : i32 to index
      %get3A_321 = tpu.vector_load %arg7[%get3A_320] {strides = array<i32>} : memref<3144xi32, #tpu.memory_space<vmem>>, vector<16xi32>,
      %gather3A_322 = tpu.vector_load_idx %arg10[%get3A_321] : memref<128xf32, #tpu.memory_space<vmem>>[vector<16xi32>], vector<16xf32>,
      %add3A_323 = arith.addf %add3A_317, %gather3A_322 : vector<16xf32>
      %add3A_324 = arith.constant 192 : i32
      %add3A_325 = arith.addi %mul3A_249, %add3A_324 : i32
      %get3A_326 = arith.index_cast %add3A_325 : i32 to index
      %get3A_327 = tpu.vector_load %arg7[%get3A_326] {strides = array<i32>} : memref<3144xi32, #tpu.memory_space<vmem>>, vector<16xi32>,
      %gather3A_328 = tpu.vector_load_idx %arg10[%get3A_327] : memref<128xf32, #tpu.memory_space<vmem>>[vector<16xi32>], vector<16xf32>,
      %add3A_329 = arith.addf %add3A_323, %gather3A_328 : vector<16xf32>
      %add3A_330 = arith.constant 208 : i32
      %add3A_331 = arith.addi %mul3A_249, %add3A_330 : i32
      %get3A_332 = arith.index_cast %add3A_331 : i32 to index
      %get3A_333 = tpu.vector_load %arg7[%get3A_332] {strides = array<i32>} : memref<3144xi32, #tpu.memory_space<vmem>>, vector<16xi32>,
      %gather3A_334 = tpu.vector_load_idx %arg10[%get3A_333] : memref<128xf32, #tpu.memory_space<vmem>>[vector<16xi32>], vector<16xf32>,
      %add3A_335 = arith.addf %add3A_329, %gather3A_334 : vector<16xf32>
      %add3A_336 = arith.constant 224 : i32
      %add3A_337 = arith.addi %mul3A_249, %add3A_336 : i32
      %get3A_338 = arith.index_cast %add3A_337 : i32 to index
      %get3A_339 = tpu.vector_load %arg7[%get3A_338] {strides = array<i32>} : memref<3144xi32, #tpu.memory_space<vmem>>, vector<16xi32>,
      %gather3A_340 = tpu.vector_load_idx %arg10[%get3A_339] : memref<128xf32, #tpu.memory_space<vmem>>[vector<16xi32>], vector<16xf32>,
      %add3A_341 = arith.addf %add3A_335, %gather3A_340 : vector<16xf32>
      %add3A_342 = arith.constant 240 : i32
      %add3A_343 = arith.addi %mul3A_249, %add3A_342 : i32
      %get3A_344 = arith.index_cast %add3A_343 : i32 to index
      %get3A_345 = tpu.vector_load %arg7[%get3A_344] {strides = array<i32>} : memref<3144xi32, #tpu.memory_space<vmem>>, vector<16xi32>,
      %gather3A_346 = tpu.vector_load_idx %arg10[%get3A_345] : memref<128xf32, #tpu.memory_space<vmem>>[vector<16xi32>], vector<16xf32>,
      %add3A_347 = arith.addf %add3A_341, %gather3A_346 : vector<16xf32>
      %swap3A_348 = arith.constant 0 : index
      %swap3A_349 = tpu.vector_load %arg11[%swap3A_348] {strides = array<i32>} : memref<16xf32, #tpu.memory_space<vmem>>, vector<16xf32>,
      tpu.vector_store %arg11[%swap3A_348], %add3A_347 {strides = array<i32>} : memref<16xf32, #tpu.memory_space<vmem>>, vector<16xf32>,
    }
    %while3A_48 = arith.constant 1 : i32
    scf.for %while3A_163 = %while3A_46 to %while3A_42 step %while3A_48  : i32 {
      %jit3A_164 = arith.constant 3 : i32
      %eq3A_165 = arith.constant 0 : i32
      %eq3A_166 = arith.cmpi eq, %jit3A_164, %eq3A_165 : i32
      %jit3A_167 = arith.constant 1 : i32
      %select_n3A_168 = arith.select %eq3A_166, %jit3A_167, %jit3A_164 : i32
      %rem3A_169 = arith.remsi %while3A_163, %select_n3A_168 : i32
      %ne3A_170 = arith.constant 0 : i32
      %ne3A_171 = arith.cmpi ne, %rem3A_169, %ne3A_170 : i32
      %lt3A_172 = arith.constant 0 : i32
      %lt3A_173 = arith.cmpi slt, %rem3A_169, %lt3A_172 : i32
      %lt3A_174 = arith.constant 0 : i32
      %lt3A_175 = arith.cmpi slt, %select_n3A_168, %lt3A_174 : i32
      %ne3A_176 = arith.xori %lt3A_173, %lt3A_175 : i1
      %and3A_177 = arith.andi %ne3A_176, %ne3A_171 : i1
      %add3A_178 = arith.addi %rem3A_169, %select_n3A_168 : i32
      %select_n3A_179 = arith.select %and3A_177, %add3A_178, %rem3A_169 : i32
      %mul3A_180 = arith.constant 256 : i32
      %mul3A_181 = arith.muli %select_n3A_179, %mul3A_180 : i32
      %add3A_182 = arith.constant 1 : i32
      %add3A_183 = arith.addi %while3A_163, %add3A_182 : i32
      %jit3A_184 = arith.constant 3 : i32
      %eq3A_185 = arith.constant 0 : i32
      %eq3A_186 = arith.cmpi eq, %jit3A_184, %eq3A_185 : i32
      %jit3A_187 = arith.constant 1 : i32
      %select_n3A_188 = arith.select %eq3A_186, %jit3A_187, %jit3A_184 : i32
      %rem3A_189 = arith.remsi %add3A_183, %select_n3A_188 : i32
      %ne3A_190 = arith.constant 0 : i32
      %ne3A_191 = arith.cmpi ne, %rem3A_189, %ne3A_190 : i32
      %lt3A_192 = arith.constant 0 : i32
      %lt3A_193 = arith.cmpi slt, %rem3A_189, %lt3A_192 : i32
      %lt3A_194 = arith.constant 0 : i32
      %lt3A_195 = arith.cmpi slt, %select_n3A_188, %lt3A_194 : i32
      %ne3A_196 = arith.xori %lt3A_193, %lt3A_195 : i1
      %and3A_197 = arith.andi %ne3A_196, %ne3A_191 : i1
      %add3A_198 = arith.addi %rem3A_189, %select_n3A_188 : i32
      %select_n3A_199 = arith.select %and3A_197, %add3A_198, %rem3A_189 : i32
      %mul3A_200 = arith.constant 256 : i32
      %mul3A_201 = arith.muli %select_n3A_199, %mul3A_200 : i32
      %mul3A_202 = arith.constant 256 : i32
      %mul3A_203 = arith.muli %while3A_163, %mul3A_202 : i32
      %add3A_204 = arith.constant 0 : i32
      %add3A_205 = arith.addi %mul3A_203, %add3A_204 : i32
      %add3A_206 = arith.constant 0 : i32
      %add3A_207 = arith.addi %mul3A_181, %add3A_206 : i32
      %dma_wait3A_208 = arith.constant 0 : i32
      %dma_wait3A_209 = tpu.memref_slice %arg9[%add3A_207, %dma_wait3A_208] : memref<768x128xf32, #tpu.memory_space<vmem>> -> memref<128x128xf32, #tpu.memory_space<vmem>>
      %dma_wait3A_210 = tpu.memref_slice %arg7[%add3A_205] : memref<3144xi32, #tpu.memory_space<vmem>> -> memref<128xi32, #tpu.memory_space<vmem>>
      %dma_wait3A_211 = arith.constant 0 : i32
      %dma_wait3A_212 = arith.constant 0 : i32
      %dma_wait3A_213 = tpu.memref_slice %arg8[%dma_wait3A_211, %dma_wait3A_212] : memref<128x128xf32, #tpu.memory_space<vmem_shared>> -> memref<128x128xf32, #tpu.memory_space<vmem_shared>>
      tpu.wait_indirect_dma semaphore(%arg13 : memref<!tpu.dma_semaphore, #tpu.memory_space<semaphore_mem>>) src(%dma_wait3A_213 : memref<128x128xf32, #tpu.memory_space<vmem_shared>>) dst(%dma_wait3A_209 : memref<128x128xf32, #tpu.memory_space<vmem>>)
      %mul3A_214 = arith.constant 256 : i32
      %mul3A_215 = arith.muli %while3A_163, %mul3A_214 : i32
      %add3A_216 = arith.constant 128 : i32
      %add3A_217 = arith.addi %mul3A_215, %add3A_216 : i32
      %add3A_218 = arith.constant 128 : i32
      %add3A_219 = arith.addi %mul3A_181, %add3A_218 : i32
      %dma_wait3A_220 = arith.constant 0 : i32
      %dma_wait3A_221 = tpu.memref_slice %arg9[%add3A_219, %dma_wait3A_220] : memref<768x128xf32, #tpu.memory_space<vmem>> -> memref<128x128xf32, #tpu.memory_space<vmem>>
      %dma_wait3A_222 = tpu.memref_slice %arg7[%add3A_217] : memref<3144xi32, #tpu.memory_space<vmem>> -> memref<128xi32, #tpu.memory_space<vmem>>
      %dma_wait3A_223 = arith.constant 0 : i32
      %dma_wait3A_224 = arith.constant 0 : i32
      %dma_wait3A_225 = tpu.memref_slice %arg8[%dma_wait3A_223, %dma_wait3A_224] : memref<128x128xf32, #tpu.memory_space<vmem_shared>> -> memref<128x128xf32, #tpu.memory_space<vmem_shared>>
      tpu.wait_indirect_dma semaphore(%arg13 : memref<!tpu.dma_semaphore, #tpu.memory_space<semaphore_mem>>) src(%dma_wait3A_225 : memref<128x128xf32, #tpu.memory_space<vmem_shared>>) dst(%dma_wait3A_221 : memref<128x128xf32, #tpu.memory_space<vmem>>)
      %ge3A_226 = arith.constant 2 : i32
      %ge3A_227 = arith.cmpi sge, %while3A_163, %ge3A_226 : i32
      %convert_element_type3A_228 = arith.extui %ge3A_227 : i1 to i32
      %cond3A_229 = arith.constant 0 : i32
      %cond3A_230 = arith.cmpi ne, %convert_element_type3A_228, %cond3A_229 : i32
      scf.if %cond3A_230 {
        %sub3A_350 = arith.constant 2 : i32
        %sub3A_351 = arith.subi %while3A_163, %sub3A_350 : i32
        %jit3A_352 = arith.constant 3 : i32
        %eq3A_353 = arith.constant 0 : i32
        %eq3A_354 = arith.cmpi eq, %jit3A_352, %eq3A_353 : i32
        %jit3A_355 = arith.constant 1 : i32
        %select_n3A_356 = arith.select %eq3A_354, %jit3A_355, %jit3A_352 : i32
        %rem3A_357 = arith.remsi %sub3A_351, %select_n3A_356 : i32
        %ne3A_358 = arith.constant 0 : i32
        %ne3A_359 = arith.cmpi ne, %rem3A_357, %ne3A_358 : i32
        %lt3A_360 = arith.constant 0 : i32
        %lt3A_361 = arith.cmpi slt, %rem3A_357, %lt3A_360 : i32
        %lt3A_362 = arith.constant 0 : i32
        %lt3A_363 = arith.cmpi slt, %select_n3A_356, %lt3A_362 : i32
        %ne3A_364 = arith.xori %lt3A_361, %lt3A_363 : i1
        %and3A_365 = arith.andi %ne3A_364, %ne3A_359 : i1
        %add3A_366 = arith.addi %rem3A_357, %select_n3A_356 : i32
        %select_n3A_367 = arith.select %and3A_365, %add3A_366, %rem3A_357 : i32
        %mul3A_368 = arith.constant 256 : i32
        %mul3A_369 = arith.muli %select_n3A_367, %mul3A_368 : i32
        %sub3A_370 = arith.constant 2 : i32
        %sub3A_371 = arith.subi %while3A_163, %sub3A_370 : i32
        %mul3A_372 = arith.constant 256 : i32
        %mul3A_373 = arith.muli %sub3A_371, %mul3A_372 : i32
        %add3A_374 = arith.addi %mul3A_2, %mul3A_373 : i32
        %dma_wait3A_375 = arith.constant 0 : i32
        %dma_wait3A_376 = tpu.memref_slice %arg9[%mul3A_369, %dma_wait3A_375] : memref<768x128xf32, #tpu.memory_space<vmem>> -> memref<256x128xf32, #tpu.memory_space<vmem>>
        %dma_wait3A_377 = arith.constant 0 : i32
        %dma_wait3A_378 = tpu.memref_slice %arg5[%add3A_374, %dma_wait3A_377] : memref<100000x128xf32, #tpu.memory_space<hbm>> -> memref<256x128xf32, #tpu.memory_space<hbm>>
        %dma_wait3A_379 = arith.constant 0 : i32
        %dma_wait3A_380 = tpu.memref_slice %arg5[%add3A_374, %dma_wait3A_379] : memref<100000x128xf32, #tpu.memory_space<hbm>> -> memref<256x128xf32, #tpu.memory_space<hbm>>
        %dma_wait3A_381 = arith.constant 0 : i32
        %dma_wait3A_382 = tpu.memref_slice %arg9[%mul3A_369, %dma_wait3A_381] : memref<768x128xf32, #tpu.memory_space<vmem>> -> memref<256x128xf32, #tpu.memory_space<vmem>>
        tpu.wait_dma2 semaphore(%arg14 : memref<!tpu.dma_semaphore, #tpu.memory_space<semaphore_mem>>) src(%dma_wait3A_382 : memref<256x128xf32, #tpu.memory_space<vmem>>) dst(%dma_wait3A_380 : memref<256x128xf32, #tpu.memory_space<hbm>>)
      } else {
      }
      %add3A_231 = arith.constant 1 : i32
      %add3A_232 = arith.addi %while3A_163, %add3A_231 : i32
      %lt3A_233 = arith.cmpi slt, %add3A_232, %select_n3A : i32
      %convert_element_type3A_234 = arith.extui %lt3A_233 : i1 to i32
      %cond3A_235 = arith.constant 0 : i32
      %cond3A_236 = arith.cmpi ne, %convert_element_type3A_234, %cond3A_235 : i32
      scf.if %cond3A_236 {
        %add3A_350 = arith.constant 1 : i32
        %add3A_351 = arith.addi %while3A_163, %add3A_350 : i32
        %mul3A_352 = arith.constant 256 : i32
        %mul3A_353 = arith.muli %add3A_351, %mul3A_352 : i32
        %add3A_354 = arith.constant 0 : i32
        %add3A_355 = arith.addi %mul3A_353, %add3A_354 : i32
        %add3A_356 = arith.constant 0 : i32
        %add3A_357 = arith.addi %mul3A_201, %add3A_356 : i32
        %dma_start3A_358 = arith.constant 0 : i32
        %dma_start3A_359 = tpu.memref_slice %arg9[%add3A_357, %dma_start3A_358] : memref<768x128xf32, #tpu.memory_space<vmem>> -> memref<128x128xf32, #tpu.memory_space<vmem>>
        %dma_start3A_360 = tpu.memref_slice %arg7[%add3A_355] : memref<3144xi32, #tpu.memory_space<vmem>> -> memref<128xi32, #tpu.memory_space<vmem>>
        %dma_start3A_361 = arith.constant 0 : i32
        %dma_start3A_362 = arith.constant 0 : i32
        %dma_start3A_363 = tpu.memref_slice %arg8[%dma_start3A_361, %dma_start3A_362] : memref<128x128xf32, #tpu.memory_space<vmem_shared>> -> memref<128x128xf32, #tpu.memory_space<vmem_shared>>
        tpu.enqueue_indirect_dma source(%dma_start3A_363 : memref<128x128xf32, #tpu.memory_space<vmem_shared>>) target(%dma_start3A_359 : memref<128x128xf32, #tpu.memory_space<vmem>>) offsets(%dma_start3A_360 : memref<128xi32, #tpu.memory_space<vmem>>) semaphore(%arg13 : memref<!tpu.dma_semaphore, #tpu.memory_space<semaphore_mem>>)
        %mul3A_364 = arith.constant 256 : i32
        %mul3A_365 = arith.muli %add3A_351, %mul3A_364 : i32
        %add3A_366 = arith.constant 128 : i32
        %add3A_367 = arith.addi %mul3A_365, %add3A_366 : i32
        %add3A_368 = arith.constant 128 : i32
        %add3A_369 = arith.addi %mul3A_201, %add3A_368 : i32
        %dma_start3A_370 = arith.constant 0 : i32
        %dma_start3A_371 = tpu.memref_slice %arg9[%add3A_369, %dma_start3A_370] : memref<768x128xf32, #tpu.memory_space<vmem>> -> memref<128x128xf32, #tpu.memory_space<vmem>>
        %dma_start3A_372 = tpu.memref_slice %arg7[%add3A_367] : memref<3144xi32, #tpu.memory_space<vmem>> -> memref<128xi32, #tpu.memory_space<vmem>>
        %dma_start3A_373 = arith.constant 0 : i32
        %dma_start3A_374 = arith.constant 0 : i32
        %dma_start3A_375 = tpu.memref_slice %arg8[%dma_start3A_373, %dma_start3A_374] : memref<128x128xf32, #tpu.memory_space<vmem_shared>> -> memref<128x128xf32, #tpu.memory_space<vmem_shared>>
        tpu.enqueue_indirect_dma source(%dma_start3A_375 : memref<128x128xf32, #tpu.memory_space<vmem_shared>>) target(%dma_start3A_371 : memref<128x128xf32, #tpu.memory_space<vmem>>) offsets(%dma_start3A_372 : memref<128xi32, #tpu.memory_space<vmem>>) semaphore(%arg13 : memref<!tpu.dma_semaphore, #tpu.memory_space<semaphore_mem>>)
      } else {
      }
      %mul3A_237 = arith.constant 256 : i32
      %mul3A_238 = arith.muli %while3A_163, %mul3A_237 : i32
      %add3A_239 = arith.addi %mul3A_2, %mul3A_238 : i32
      %dma_start3A_240 = arith.constant 0 : i32
      %dma_start3A_241 = tpu.memref_slice %arg9[%mul3A_181, %dma_start3A_240] : memref<768x128xf32, #tpu.memory_space<vmem>> -> memref<256x128xf32, #tpu.memory_space<vmem>>
      %dma_start3A_242 = arith.constant 0 : i32
      %dma_start3A_243 = tpu.memref_slice %arg5[%add3A_239, %dma_start3A_242] : memref<100000x128xf32, #tpu.memory_space<hbm>> -> memref<256x128xf32, #tpu.memory_space<hbm>>
      %dma_start3A_244 = arith.constant 0 : i32
      %dma_start3A_245 = tpu.memref_slice %arg5[%add3A_239, %dma_start3A_244] : memref<100000x128xf32, #tpu.memory_space<hbm>> -> memref<256x128xf32, #tpu.memory_space<hbm>>
      %dma_start3A_246 = arith.constant 0 : i32
      %dma_start3A_247 = tpu.memref_slice %arg9[%mul3A_181, %dma_start3A_246] : memref<768x128xf32, #tpu.memory_space<vmem>> -> memref<256x128xf32, #tpu.memory_space<vmem>>
      tpu.enqueue_dma source(%dma_start3A_247 : memref<256x128xf32, #tpu.memory_space<vmem>>) target(%dma_start3A_245 : memref<256x128xf32, #tpu.memory_space<hbm>>) target_semaphore(%arg14 : memref<!tpu.dma_semaphore, #tpu.memory_space<semaphore_mem>>)
      %mul3A_248 = arith.constant 256 : i32
      %mul3A_249 = arith.muli %while3A_163, %mul3A_248 : i32
      %get3A_250 = arith.constant 0 : index
      %get3A_251 = tpu.vector_load %arg11[%get3A_250] {strides = array<i32>} : memref<16xf32, #tpu.memory_space<vmem>>, vector<16xf32>,
      %add3A_252 = arith.constant 0 : i32
      %add3A_253 = arith.addi %mul3A_249, %add3A_252 : i32
      %get3A_254 = arith.index_cast %add3A_253 : i32 to index
      %get3A_255 = tpu.vector_load %arg7[%get3A_254] {strides = array<i32>} : memref<3144xi32, #tpu.memory_space<vmem>>, vector<16xi32>,
      %gather3A_256 = tpu.vector_load_idx %arg10[%get3A_255] : memref<128xf32, #tpu.memory_space<vmem>>[vector<16xi32>], vector<16xf32>,
      %add3A_257 = arith.addf %get3A_251, %gather3A_256 : vector<16xf32>
      %add3A_258 = arith.constant 16 : i32
      %add3A_259 = arith.addi %mul3A_249, %add3A_258 : i32
      %get3A_260 = arith.index_cast %add3A_259 : i32 to index
      %get3A_261 = tpu.vector_load %arg7[%get3A_260] {strides = array<i32>} : memref<3144xi32, #tpu.memory_space<vmem>>, vector<16xi32>,
      %gather3A_262 = tpu.vector_load_idx %arg10[%get3A_261] : memref<128xf32, #tpu.memory_space<vmem>>[vector<16xi32>], vector<16xf32>,
      %add3A_263 = arith.addf %add3A_257, %gather3A_262 : vector<16xf32>
      %add3A_264 = arith.constant 32 : i32
      %add3A_265 = arith.addi %mul3A_249, %add3A_264 : i32
      %get3A_266 = arith.index_cast %add3A_265 : i32 to index
      %get3A_267 = tpu.vector_load %arg7[%get3A_266] {strides = array<i32>} : memref<3144xi32, #tpu.memory_space<vmem>>, vector<16xi32>,
      %gather3A_268 = tpu.vector_load_idx %arg10[%get3A_267] : memref<128xf32, #tpu.memory_space<vmem>>[vector<16xi32>], vector<16xf32>,
      %add3A_269 = arith.addf %add3A_263, %gather3A_268 : vector<16xf32>
      %add3A_270 = arith.constant 48 : i32
      %add3A_271 = arith.addi %mul3A_249, %add3A_270 : i32
      %get3A_272 = arith.index_cast %add3A_271 : i32 to index
      %get3A_273 = tpu.vector_load %arg7[%get3A_272] {strides = array<i32>} : memref<3144xi32, #tpu.memory_space<vmem>>, vector<16xi32>,
      %gather3A_274 = tpu.vector_load_idx %arg10[%get3A_273] : memref<128xf32, #tpu.memory_space<vmem>>[vector<16xi32>], vector<16xf32>,
      %add3A_275 = arith.addf %add3A_269, %gather3A_274 : vector<16xf32>
      %add3A_276 = arith.constant 64 : i32
      %add3A_277 = arith.addi %mul3A_249, %add3A_276 : i32
      %get3A_278 = arith.index_cast %add3A_277 : i32 to index
      %get3A_279 = tpu.vector_load %arg7[%get3A_278] {strides = array<i32>} : memref<3144xi32, #tpu.memory_space<vmem>>, vector<16xi32>,
      %gather3A_280 = tpu.vector_load_idx %arg10[%get3A_279] : memref<128xf32, #tpu.memory_space<vmem>>[vector<16xi32>], vector<16xf32>,
      %add3A_281 = arith.addf %add3A_275, %gather3A_280 : vector<16xf32>
      %add3A_282 = arith.constant 80 : i32
      %add3A_283 = arith.addi %mul3A_249, %add3A_282 : i32
      %get3A_284 = arith.index_cast %add3A_283 : i32 to index
      %get3A_285 = tpu.vector_load %arg7[%get3A_284] {strides = array<i32>} : memref<3144xi32, #tpu.memory_space<vmem>>, vector<16xi32>,
      %gather3A_286 = tpu.vector_load_idx %arg10[%get3A_285] : memref<128xf32, #tpu.memory_space<vmem>>[vector<16xi32>], vector<16xf32>,
      %add3A_287 = arith.addf %add3A_281, %gather3A_286 : vector<16xf32>
      %add3A_288 = arith.constant 96 : i32
      %add3A_289 = arith.addi %mul3A_249, %add3A_288 : i32
      %get3A_290 = arith.index_cast %add3A_289 : i32 to index
      %get3A_291 = tpu.vector_load %arg7[%get3A_290] {strides = array<i32>} : memref<3144xi32, #tpu.memory_space<vmem>>, vector<16xi32>,
      %gather3A_292 = tpu.vector_load_idx %arg10[%get3A_291] : memref<128xf32, #tpu.memory_space<vmem>>[vector<16xi32>], vector<16xf32>,
      %add3A_293 = arith.addf %add3A_287, %gather3A_292 : vector<16xf32>
      %add3A_294 = arith.constant 112 : i32
      %add3A_295 = arith.addi %mul3A_249, %add3A_294 : i32
      %get3A_296 = arith.index_cast %add3A_295 : i32 to index
      %get3A_297 = tpu.vector_load %arg7[%get3A_296] {strides = array<i32>} : memref<3144xi32, #tpu.memory_space<vmem>>, vector<16xi32>,
      %gather3A_298 = tpu.vector_load_idx %arg10[%get3A_297] : memref<128xf32, #tpu.memory_space<vmem>>[vector<16xi32>], vector<16xf32>,
      %add3A_299 = arith.addf %add3A_293, %gather3A_298 : vector<16xf32>
      %add3A_300 = arith.constant 128 : i32
      %add3A_301 = arith.addi %mul3A_249, %add3A_300 : i32
      %get3A_302 = arith.index_cast %add3A_301 : i32 to index
      %get3A_303 = tpu.vector_load %arg7[%get3A_302] {strides = array<i32>} : memref<3144xi32, #tpu.memory_space<vmem>>, vector<16xi32>,
      %gather3A_304 = tpu.vector_load_idx %arg10[%get3A_303] : memref<128xf32, #tpu.memory_space<vmem>>[vector<16xi32>], vector<16xf32>,
      %add3A_305 = arith.addf %add3A_299, %gather3A_304 : vector<16xf32>
      %add3A_306 = arith.constant 144 : i32
      %add3A_307 = arith.addi %mul3A_249, %add3A_306 : i32
      %get3A_308 = arith.index_cast %add3A_307 : i32 to index
      %get3A_309 = tpu.vector_load %arg7[%get3A_308] {strides = array<i32>} : memref<3144xi32, #tpu.memory_space<vmem>>, vector<16xi32>,
      %gather3A_310 = tpu.vector_load_idx %arg10[%get3A_309] : memref<128xf32, #tpu.memory_space<vmem>>[vector<16xi32>], vector<16xf32>,
      %add3A_311 = arith.addf %add3A_305, %gather3A_310 : vector<16xf32>
      %add3A_312 = arith.constant 160 : i32
      %add3A_313 = arith.addi %mul3A_249, %add3A_312 : i32
      %get3A_314 = arith.index_cast %add3A_313 : i32 to index
      %get3A_315 = tpu.vector_load %arg7[%get3A_314] {strides = array<i32>} : memref<3144xi32, #tpu.memory_space<vmem>>, vector<16xi32>,
      %gather3A_316 = tpu.vector_load_idx %arg10[%get3A_315] : memref<128xf32, #tpu.memory_space<vmem>>[vector<16xi32>], vector<16xf32>,
      %add3A_317 = arith.addf %add3A_311, %gather3A_316 : vector<16xf32>
      %add3A_318 = arith.constant 176 : i32
      %add3A_319 = arith.addi %mul3A_249, %add3A_318 : i32
      %get3A_320 = arith.index_cast %add3A_319 : i32 to index
      %get3A_321 = tpu.vector_load %arg7[%get3A_320] {strides = array<i32>} : memref<3144xi32, #tpu.memory_space<vmem>>, vector<16xi32>,
      %gather3A_322 = tpu.vector_load_idx %arg10[%get3A_321] : memref<128xf32, #tpu.memory_space<vmem>>[vector<16xi32>], vector<16xf32>,
      %add3A_323 = arith.addf %add3A_317, %gather3A_322 : vector<16xf32>
      %add3A_324 = arith.constant 192 : i32
      %add3A_325 = arith.addi %mul3A_249, %add3A_324 : i32
      %get3A_326 = arith.index_cast %add3A_325 : i32 to index
      %get3A_327 = tpu.vector_load %arg7[%get3A_326] {strides = array<i32>} : memref<3144xi32, #tpu.memory_space<vmem>>, vector<16xi32>,
      %gather3A_328 = tpu.vector_load_idx %arg10[%get3A_327] : memref<128xf32, #tpu.memory_space<vmem>>[vector<16xi32>], vector<16xf32>,
      %add3A_329 = arith.addf %add3A_323, %gather3A_328 : vector<16xf32>
      %add3A_330 = arith.constant 208 : i32
      %add3A_331 = arith.addi %mul3A_249, %add3A_330 : i32
      %get3A_332 = arith.index_cast %add3A_331 : i32 to index
      %get3A_333 = tpu.vector_load %arg7[%get3A_332] {strides = array<i32>} : memref<3144xi32, #tpu.memory_space<vmem>>, vector<16xi32>,
      %gather3A_334 = tpu.vector_load_idx %arg10[%get3A_333] : memref<128xf32, #tpu.memory_space<vmem>>[vector<16xi32>], vector<16xf32>,
      %add3A_335 = arith.addf %add3A_329, %gather3A_334 : vector<16xf32>
      %add3A_336 = arith.constant 224 : i32
      %add3A_337 = arith.addi %mul3A_249, %add3A_336 : i32
      %get3A_338 = arith.index_cast %add3A_337 : i32 to index
      %get3A_339 = tpu.vector_load %arg7[%get3A_338] {strides = array<i32>} : memref<3144xi32, #tpu.memory_space<vmem>>, vector<16xi32>,
      %gather3A_340 = tpu.vector_load_idx %arg10[%get3A_339] : memref<128xf32, #tpu.memory_space<vmem>>[vector<16xi32>], vector<16xf32>,
      %add3A_341 = arith.addf %add3A_335, %gather3A_340 : vector<16xf32>
      %add3A_342 = arith.constant 240 : i32
      %add3A_343 = arith.addi %mul3A_249, %add3A_342 : i32
      %get3A_344 = arith.index_cast %add3A_343 : i32 to index
      %get3A_345 = tpu.vector_load %arg7[%get3A_344] {strides = array<i32>} : memref<3144xi32, #tpu.memory_space<vmem>>, vector<16xi32>,
      %gather3A_346 = tpu.vector_load_idx %arg10[%get3A_345] : memref<128xf32, #tpu.memory_space<vmem>>[vector<16xi32>], vector<16xf32>,
      %add3A_347 = arith.addf %add3A_341, %gather3A_346 : vector<16xf32>
      %swap3A_348 = arith.constant 0 : index
      %swap3A_349 = tpu.vector_load %arg11[%swap3A_348] {strides = array<i32>} : memref<16xf32, #tpu.memory_space<vmem>>, vector<16xf32>,
      tpu.vector_store %arg11[%swap3A_348], %add3A_347 {strides = array<i32>} : memref<16xf32, #tpu.memory_space<vmem>>, vector<16xf32>,
    }
    %jit3A_49 = arith.constant 3 : i32
    %eq3A_50 = arith.constant 0 : i32
    %eq3A_51 = arith.cmpi eq, %jit3A_49, %eq3A_50 : i32
    %jit3A_52 = arith.constant 1 : i32
    %select_n3A_53 = arith.select %eq3A_51, %jit3A_52, %jit3A_49 : i32
    %rem3A = arith.remsi %select_n3A, %select_n3A_53 : i32
    %ne3A = arith.constant 0 : i32
    %ne3A_54 = arith.cmpi ne, %rem3A, %ne3A : i32
    %lt3A = arith.constant 0 : i32
    %lt3A_55 = arith.cmpi slt, %rem3A, %lt3A : i32
    %lt3A_56 = arith.constant 0 : i32
    %lt3A_57 = arith.cmpi slt, %select_n3A_53, %lt3A_56 : i32
    %ne3A_58 = arith.xori %lt3A_55, %lt3A_57 : i1
    %and3A = arith.andi %ne3A_58, %ne3A_54 : i1
    %add3A_59 = arith.addi %rem3A, %select_n3A_53 : i32
    %select_n3A_60 = arith.select %and3A, %add3A_59, %rem3A : i32
    %mul3A_61 = arith.constant 256 : i32
    %mul3A_62 = arith.muli %select_n3A_60, %mul3A_61 : i32
    %not3A_63 = arith.constant true
    %not3A_64 = arith.xori %eq3A_3, %not3A_63 : i1
    %convert_element_type3A_65 = arith.extui %not3A_64 : i1 to i32
    %cond3A_66 = arith.constant 0 : i32
    %cond3A_67 = arith.cmpi ne, %convert_element_type3A_65, %cond3A_66 : i32
    scf.if %cond3A_67 {
      %dma_start3A_163 = arith.constant 0 : i32
      %dma_start3A_164 = tpu.memref_slice %arg9[%mul3A_62, %dma_start3A_163] : memref<768x128xf32, #tpu.memory_space<vmem>> -> memref<56x128xf32, #tpu.memory_space<vmem>>
      %dma_start3A_165 = arith.constant 3072 : i32
      %dma_start3A_166 = tpu.memref_slice %arg7[%dma_start3A_165] : memref<3144xi32, #tpu.memory_space<vmem>> -> memref<56xi32, #tpu.memory_space<vmem>>
      %dma_start3A_167 = arith.constant 0 : i32
      %dma_start3A_168 = arith.constant 0 : i32
      %dma_start3A_169 = tpu.memref_slice %arg8[%dma_start3A_167, %dma_start3A_168] : memref<128x128xf32, #tpu.memory_space<vmem_shared>> -> memref<128x128xf32, #tpu.memory_space<vmem_shared>>
      tpu.enqueue_indirect_dma source(%dma_start3A_169 : memref<128x128xf32, #tpu.memory_space<vmem_shared>>) target(%dma_start3A_164 : memref<56x128xf32, #tpu.memory_space<vmem>>) offsets(%dma_start3A_166 : memref<56xi32, #tpu.memory_space<vmem>>) semaphore(%arg13 : memref<!tpu.dma_semaphore, #tpu.memory_space<semaphore_mem>>)
      %dma_wait3A_170 = arith.constant 0 : i32
      %dma_wait3A_171 = tpu.memref_slice %arg9[%mul3A_62, %dma_wait3A_170] : memref<768x128xf32, #tpu.memory_space<vmem>> -> memref<56x128xf32, #tpu.memory_space<vmem>>
      %dma_wait3A_172 = arith.constant 3072 : i32
      %dma_wait3A_173 = tpu.memref_slice %arg7[%dma_wait3A_172] : memref<3144xi32, #tpu.memory_space<vmem>> -> memref<56xi32, #tpu.memory_space<vmem>>
      %dma_wait3A_174 = arith.constant 0 : i32
      %dma_wait3A_175 = arith.constant 0 : i32
      %dma_wait3A_176 = tpu.memref_slice %arg8[%dma_wait3A_174, %dma_wait3A_175] : memref<128x128xf32, #tpu.memory_space<vmem_shared>> -> memref<128x128xf32, #tpu.memory_space<vmem_shared>>
      tpu.wait_indirect_dma semaphore(%arg13 : memref<!tpu.dma_semaphore, #tpu.memory_space<semaphore_mem>>) src(%dma_wait3A_176 : memref<128x128xf32, #tpu.memory_space<vmem_shared>>) dst(%dma_wait3A_171 : memref<56x128xf32, #tpu.memory_space<vmem>>)
      %add3A_177 = arith.constant 3072 : i32
      %add3A_178 = arith.addi %mul3A_2, %add3A_177 : i32
      %dma_start3A_179 = arith.constant 0 : i32
      %dma_start3A_180 = tpu.memref_slice %arg9[%mul3A_62, %dma_start3A_179] : memref<768x128xf32, #tpu.memory_space<vmem>> -> memref<56x128xf32, #tpu.memory_space<vmem>>
      %dma_start3A_181 = arith.constant 0 : i32
      %dma_start3A_182 = tpu.memref_slice %arg5[%add3A_178, %dma_start3A_181] : memref<100000x128xf32, #tpu.memory_space<hbm>> -> memref<56x128xf32, #tpu.memory_space<hbm>>
      %dma_start3A_183 = arith.constant 0 : i32
      %dma_start3A_184 = tpu.memref_slice %arg5[%add3A_178, %dma_start3A_183] : memref<100000x128xf32, #tpu.memory_space<hbm>> -> memref<56x128xf32, #tpu.memory_space<hbm>>
      %dma_start3A_185 = arith.constant 0 : i32
      %dma_start3A_186 = tpu.memref_slice %arg9[%mul3A_62, %dma_start3A_185] : memref<768x128xf32, #tpu.memory_space<vmem>> -> memref<56x128xf32, #tpu.memory_space<vmem>>
      tpu.enqueue_dma source(%dma_start3A_186 : memref<56x128xf32, #tpu.memory_space<vmem>>) target(%dma_start3A_184 : memref<56x128xf32, #tpu.memory_space<hbm>>) target_semaphore(%arg14 : memref<!tpu.dma_semaphore, #tpu.memory_space<semaphore_mem>>)
    } else {
    }
    %convert_element_type3A_68 = arith.extui %eq3A_3 : i1 to i32
    %cond3A_69 = arith.constant 0 : i32
    %cond3A_70 = arith.cmpi ne, %convert_element_type3A_68, %cond3A_69 : i32
    scf.if %cond3A_70 {
      %dma_start3A_163 = arith.constant 0 : i32
      %dma_start3A_164 = tpu.memref_slice %arg9[%mul3A_62, %dma_start3A_163] : memref<768x128xf32, #tpu.memory_space<vmem>> -> memref<128x128xf32, #tpu.memory_space<vmem>>
      %dma_start3A_165 = arith.constant 2816 : i32
      %dma_start3A_166 = tpu.memref_slice %arg7[%dma_start3A_165] : memref<3144xi32, #tpu.memory_space<vmem>> -> memref<128xi32, #tpu.memory_space<vmem>>
      %dma_start3A_167 = arith.constant 0 : i32
      %dma_start3A_168 = arith.constant 0 : i32
      %dma_start3A_169 = tpu.memref_slice %arg8[%dma_start3A_167, %dma_start3A_168] : memref<128x128xf32, #tpu.memory_space<vmem_shared>> -> memref<128x128xf32, #tpu.memory_space<vmem_shared>>
      tpu.enqueue_indirect_dma source(%dma_start3A_169 : memref<128x128xf32, #tpu.memory_space<vmem_shared>>) target(%dma_start3A_164 : memref<128x128xf32, #tpu.memory_space<vmem>>) offsets(%dma_start3A_166 : memref<128xi32, #tpu.memory_space<vmem>>) semaphore(%arg13 : memref<!tpu.dma_semaphore, #tpu.memory_space<semaphore_mem>>)
      %add3A_170 = arith.constant 128 : i32
      %add3A_171 = arith.addi %mul3A_62, %add3A_170 : i32
      %dma_start3A_172 = arith.constant 0 : i32
      %dma_start3A_173 = tpu.memref_slice %arg9[%add3A_171, %dma_start3A_172] : memref<768x128xf32, #tpu.memory_space<vmem>> -> memref<88x128xf32, #tpu.memory_space<vmem>>
      %dma_start3A_174 = arith.constant 2944 : i32
      %dma_start3A_175 = tpu.memref_slice %arg7[%dma_start3A_174] : memref<3144xi32, #tpu.memory_space<vmem>> -> memref<88xi32, #tpu.memory_space<vmem>>
      %dma_start3A_176 = arith.constant 0 : i32
      %dma_start3A_177 = arith.constant 0 : i32
      %dma_start3A_178 = tpu.memref_slice %arg8[%dma_start3A_176, %dma_start3A_177] : memref<128x128xf32, #tpu.memory_space<vmem_shared>> -> memref<128x128xf32, #tpu.memory_space<vmem_shared>>
      tpu.enqueue_indirect_dma source(%dma_start3A_178 : memref<128x128xf32, #tpu.memory_space<vmem_shared>>) target(%dma_start3A_173 : memref<88x128xf32, #tpu.memory_space<vmem>>) offsets(%dma_start3A_175 : memref<88xi32, #tpu.memory_space<vmem>>) semaphore(%arg13 : memref<!tpu.dma_semaphore, #tpu.memory_space<semaphore_mem>>)
      %dma_wait3A_179 = arith.constant 0 : i32
      %dma_wait3A_180 = tpu.memref_slice %arg9[%mul3A_62, %dma_wait3A_179] : memref<768x128xf32, #tpu.memory_space<vmem>> -> memref<128x128xf32, #tpu.memory_space<vmem>>
      %dma_wait3A_181 = arith.constant 2816 : i32
      %dma_wait3A_182 = tpu.memref_slice %arg7[%dma_wait3A_181] : memref<3144xi32, #tpu.memory_space<vmem>> -> memref<128xi32, #tpu.memory_space<vmem>>
      %dma_wait3A_183 = arith.constant 0 : i32
      %dma_wait3A_184 = arith.constant 0 : i32
      %dma_wait3A_185 = tpu.memref_slice %arg8[%dma_wait3A_183, %dma_wait3A_184] : memref<128x128xf32, #tpu.memory_space<vmem_shared>> -> memref<128x128xf32, #tpu.memory_space<vmem_shared>>
      tpu.wait_indirect_dma semaphore(%arg13 : memref<!tpu.dma_semaphore, #tpu.memory_space<semaphore_mem>>) src(%dma_wait3A_185 : memref<128x128xf32, #tpu.memory_space<vmem_shared>>) dst(%dma_wait3A_180 : memref<128x128xf32, #tpu.memory_space<vmem>>)
      %add3A_186 = arith.constant 128 : i32
      %add3A_187 = arith.addi %mul3A_62, %add3A_186 : i32
      %dma_wait3A_188 = arith.constant 0 : i32
      %dma_wait3A_189 = tpu.memref_slice %arg9[%add3A_187, %dma_wait3A_188] : memref<768x128xf32, #tpu.memory_space<vmem>> -> memref<88x128xf32, #tpu.memory_space<vmem>>
      %dma_wait3A_190 = arith.constant 2944 : i32
      %dma_wait3A_191 = tpu.memref_slice %arg7[%dma_wait3A_190] : memref<3144xi32, #tpu.memory_space<vmem>> -> memref<88xi32, #tpu.memory_space<vmem>>
      %dma_wait3A_192 = arith.constant 0 : i32
      %dma_wait3A_193 = arith.constant 0 : i32
      %dma_wait3A_194 = tpu.memref_slice %arg8[%dma_wait3A_192, %dma_wait3A_193] : memref<128x128xf32, #tpu.memory_space<vmem_shared>> -> memref<128x128xf32, #tpu.memory_space<vmem_shared>>
      tpu.wait_indirect_dma semaphore(%arg13 : memref<!tpu.dma_semaphore, #tpu.memory_space<semaphore_mem>>) src(%dma_wait3A_194 : memref<128x128xf32, #tpu.memory_space<vmem_shared>>) dst(%dma_wait3A_189 : memref<88x128xf32, #tpu.memory_space<vmem>>)
      %add3A_195 = arith.constant 2816 : i32
      %add3A_196 = arith.addi %mul3A_2, %add3A_195 : i32
      %dma_start3A_197 = arith.constant 0 : i32
      %dma_start3A_198 = tpu.memref_slice %arg9[%mul3A_62, %dma_start3A_197] : memref<768x128xf32, #tpu.memory_space<vmem>> -> memref<216x128xf32, #tpu.memory_space<vmem>>
      %dma_start3A_199 = arith.constant 0 : i32
      %dma_start3A_200 = tpu.memref_slice %arg5[%add3A_196, %dma_start3A_199] : memref<100000x128xf32, #tpu.memory_space<hbm>> -> memref<216x128xf32, #tpu.memory_space<hbm>>
      %dma_start3A_201 = arith.constant 0 : i32
      %dma_start3A_202 = tpu.memref_slice %arg5[%add3A_196, %dma_start3A_201] : memref<100000x128xf32, #tpu.memory_space<hbm>> -> memref<216x128xf32, #tpu.memory_space<hbm>>
      %dma_start3A_203 = arith.constant 0 : i32
      %dma_start3A_204 = tpu.memref_slice %arg9[%mul3A_62, %dma_start3A_203] : memref<768x128xf32, #tpu.memory_space<vmem>> -> memref<216x128xf32, #tpu.memory_space<vmem>>
      tpu.enqueue_dma source(%dma_start3A_204 : memref<216x128xf32, #tpu.memory_space<vmem>>) target(%dma_start3A_202 : memref<216x128xf32, #tpu.memory_space<hbm>>) target_semaphore(%arg14 : memref<!tpu.dma_semaphore, #tpu.memory_space<semaphore_mem>>)
    } else {
    }
    %not3A_71 = arith.constant true
    %not3A_72 = arith.xori %eq3A_3, %not3A_71 : i1
    %convert_element_type3A_73 = arith.extui %not3A_72 : i1 to i32
    %cond3A_74 = arith.constant 0 : i32
    %cond3A_75 = arith.cmpi ne, %convert_element_type3A_73, %cond3A_74 : i32
    scf.if %cond3A_75 {
      %get3A_163 = arith.constant 0 : index
      %get3A_164 = tpu.vector_load %arg11[%get3A_163] {strides = array<i32>} : memref<16xf32, #tpu.memory_space<vmem>>, vector<16xf32>,
      %get3A_165 = arith.constant 3072 : index
      %get3A_166 = tpu.vector_load %arg7[%get3A_165] {strides = array<i32>} : memref<3144xi32, #tpu.memory_space<vmem>>, vector<16xi32>,
      %gather3A_167 = tpu.vector_load_idx %arg10[%get3A_166] : memref<128xf32, #tpu.memory_space<vmem>>[vector<16xi32>], vector<16xf32>,
      %add3A_168 = arith.addf %get3A_164, %gather3A_167 : vector<16xf32>
      %get3A_169 = arith.constant 3088 : index
      %get3A_170 = tpu.vector_load %arg7[%get3A_169] {strides = array<i32>} : memref<3144xi32, #tpu.memory_space<vmem>>, vector<16xi32>,
      %gather3A_171 = tpu.vector_load_idx %arg10[%get3A_170] : memref<128xf32, #tpu.memory_space<vmem>>[vector<16xi32>], vector<16xf32>,
      %add3A_172 = arith.addf %add3A_168, %gather3A_171 : vector<16xf32>
      %get3A_173 = arith.constant 3104 : index
      %get3A_174 = tpu.vector_load %arg7[%get3A_173] {strides = array<i32>} : memref<3144xi32, #tpu.memory_space<vmem>>, vector<16xi32>,
      %gather3A_175 = tpu.vector_load_idx %arg10[%get3A_174] : memref<128xf32, #tpu.memory_space<vmem>>[vector<16xi32>], vector<16xf32>,
      %add3A_176 = arith.addf %add3A_172, %gather3A_175 : vector<16xf32>
      %swap3A_177 = arith.constant 0 : index
      %swap3A_178 = tpu.vector_load %arg11[%swap3A_177] {strides = array<i32>} : memref<16xf32, #tpu.memory_space<vmem>>, vector<16xf32>,
      tpu.vector_store %arg11[%swap3A_177], %add3A_176 {strides = array<i32>} : memref<16xf32, #tpu.memory_space<vmem>>, vector<16xf32>,
    } else {
    }
    %convert_element_type3A_76 = arith.extui %eq3A_3 : i1 to i32
    %cond3A_77 = arith.constant 0 : i32
    %cond3A_78 = arith.cmpi ne, %convert_element_type3A_76, %cond3A_77 : i32
    scf.if %cond3A_78 {
      %get3A_163 = arith.constant 0 : index
      %get3A_164 = tpu.vector_load %arg11[%get3A_163] {strides = array<i32>} : memref<16xf32, #tpu.memory_space<vmem>>, vector<16xf32>,
      %get3A_165 = arith.constant 2816 : index
      %get3A_166 = tpu.vector_load %arg7[%get3A_165] {strides = array<i32>} : memref<3144xi32, #tpu.memory_space<vmem>>, vector<16xi32>,
      %gather3A_167 = tpu.vector_load_idx %arg10[%get3A_166] : memref<128xf32, #tpu.memory_space<vmem>>[vector<16xi32>], vector<16xf32>,
      %add3A_168 = arith.addf %get3A_164, %gather3A_167 : vector<16xf32>
      %get3A_169 = arith.constant 2832 : index
      %get3A_170 = tpu.vector_load %arg7[%get3A_169] {strides = array<i32>} : memref<3144xi32, #tpu.memory_space<vmem>>, vector<16xi32>,
      %gather3A_171 = tpu.vector_load_idx %arg10[%get3A_170] : memref<128xf32, #tpu.memory_space<vmem>>[vector<16xi32>], vector<16xf32>,
      %add3A_172 = arith.addf %add3A_168, %gather3A_171 : vector<16xf32>
      %get3A_173 = arith.constant 2848 : index
      %get3A_174 = tpu.vector_load %arg7[%get3A_173] {strides = array<i32>} : memref<3144xi32, #tpu.memory_space<vmem>>, vector<16xi32>,
      %gather3A_175 = tpu.vector_load_idx %arg10[%get3A_174] : memref<128xf32, #tpu.memory_space<vmem>>[vector<16xi32>], vector<16xf32>,
      %add3A_176 = arith.addf %add3A_172, %gather3A_175 : vector<16xf32>
      %get3A_177 = arith.constant 2864 : index
      %get3A_178 = tpu.vector_load %arg7[%get3A_177] {strides = array<i32>} : memref<3144xi32, #tpu.memory_space<vmem>>, vector<16xi32>,
      %gather3A_179 = tpu.vector_load_idx %arg10[%get3A_178] : memref<128xf32, #tpu.memory_space<vmem>>[vector<16xi32>], vector<16xf32>,
      %add3A_180 = arith.addf %add3A_176, %gather3A_179 : vector<16xf32>
      %get3A_181 = arith.constant 2880 : index
      %get3A_182 = tpu.vector_load %arg7[%get3A_181] {strides = array<i32>} : memref<3144xi32, #tpu.memory_space<vmem>>, vector<16xi32>,
      %gather3A_183 = tpu.vector_load_idx %arg10[%get3A_182] : memref<128xf32, #tpu.memory_space<vmem>>[vector<16xi32>], vector<16xf32>,
      %add3A_184 = arith.addf %add3A_180, %gather3A_183 : vector<16xf32>
      %get3A_185 = arith.constant 2896 : index
      %get3A_186 = tpu.vector_load %arg7[%get3A_185] {strides = array<i32>} : memref<3144xi32, #tpu.memory_space<vmem>>, vector<16xi32>,
      %gather3A_187 = tpu.vector_load_idx %arg10[%get3A_186] : memref<128xf32, #tpu.memory_space<vmem>>[vector<16xi32>], vector<16xf32>,
      %add3A_188 = arith.addf %add3A_184, %gather3A_187 : vector<16xf32>
      %get3A_189 = arith.constant 2912 : index
      %get3A_190 = tpu.vector_load %arg7[%get3A_189] {strides = array<i32>} : memref<3144xi32, #tpu.memory_space<vmem>>, vector<16xi32>,
      %gather3A_191 = tpu.vector_load_idx %arg10[%get3A_190] : memref<128xf32, #tpu.memory_space<vmem>>[vector<16xi32>], vector<16xf32>,
      %add3A_192 = arith.addf %add3A_188, %gather3A_191 : vector<16xf32>
      %get3A_193 = arith.constant 2928 : index
      %get3A_194 = tpu.vector_load %arg7[%get3A_193] {strides = array<i32>} : memref<3144xi32, #tpu.memory_space<vmem>>, vector<16xi32>,
      %gather3A_195 = tpu.vector_load_idx %arg10[%get3A_194] : memref<128xf32, #tpu.memory_space<vmem>>[vector<16xi32>], vector<16xf32>,
      %add3A_196 = arith.addf %add3A_192, %gather3A_195 : vector<16xf32>
      %get3A_197 = arith.constant 2944 : index
      %get3A_198 = tpu.vector_load %arg7[%get3A_197] {strides = array<i32>} : memref<3144xi32, #tpu.memory_space<vmem>>, vector<16xi32>,
      %gather3A_199 = tpu.vector_load_idx %arg10[%get3A_198] : memref<128xf32, #tpu.memory_space<vmem>>[vector<16xi32>], vector<16xf32>,
      %add3A_200 = arith.addf %add3A_196, %gather3A_199 : vector<16xf32>
      %get3A_201 = arith.constant 2960 : index
      %get3A_202 = tpu.vector_load %arg7[%get3A_201] {strides = array<i32>} : memref<3144xi32, #tpu.memory_space<vmem>>, vector<16xi32>,
      %gather3A_203 = tpu.vector_load_idx %arg10[%get3A_202] : memref<128xf32, #tpu.memory_space<vmem>>[vector<16xi32>], vector<16xf32>,
      %add3A_204 = arith.addf %add3A_200, %gather3A_203 : vector<16xf32>
      %get3A_205 = arith.constant 2976 : index
      %get3A_206 = tpu.vector_load %arg7[%get3A_205] {strides = array<i32>} : memref<3144xi32, #tpu.memory_space<vmem>>, vector<16xi32>,
      %gather3A_207 = tpu.vector_load_idx %arg10[%get3A_206] : memref<128xf32, #tpu.memory_space<vmem>>[vector<16xi32>], vector<16xf32>,
      %add3A_208 = arith.addf %add3A_204, %gather3A_207 : vector<16xf32>
      %get3A_209 = arith.constant 2992 : index
      %get3A_210 = tpu.vector_load %arg7[%get3A_209] {strides = array<i32>} : memref<3144xi32, #tpu.memory_space<vmem>>, vector<16xi32>,
      %gather3A_211 = tpu.vector_load_idx %arg10[%get3A_210] : memref<128xf32, #tpu.memory_space<vmem>>[vector<16xi32>], vector<16xf32>,
      %add3A_212 = arith.addf %add3A_208, %gather3A_211 : vector<16xf32>
      %get3A_213 = arith.constant 3008 : index
      %get3A_214 = tpu.vector_load %arg7[%get3A_213] {strides = array<i32>} : memref<3144xi32, #tpu.memory_space<vmem>>, vector<16xi32>,
      %gather3A_215 = tpu.vector_load_idx %arg10[%get3A_214] : memref<128xf32, #tpu.memory_space<vmem>>[vector<16xi32>], vector<16xf32>,
      %add3A_216 = arith.addf %add3A_212, %gather3A_215 : vector<16xf32>
      %swap3A_217 = arith.constant 0 : index
      %swap3A_218 = tpu.vector_load %arg11[%swap3A_217] {strides = array<i32>} : memref<16xf32, #tpu.memory_space<vmem>>, vector<16xf32>,
      tpu.vector_store %arg11[%swap3A_217], %add3A_216 {strides = array<i32>} : memref<16xf32, #tpu.memory_space<vmem>>, vector<16xf32>,
    } else {
    }
    %jit3A_79 = arith.constant 3024 : i32
    %jit3A_80 = arith.constant 3120 : i32
    %select_n3A_81 = arith.select %eq3A_3, %jit3A_79, %jit3A_80 : i32
    %sub3A = arith.constant 8 : i32
    %sub3A_82 = arith.subi %select_n3A_81, %sub3A : i32
    %get3A = arith.index_cast %sub3A_82 : i32 to index
    %get3A_83 = tpu.vector_load %arg7[%get3A] {strides = array<i32>} : memref<3144xi32, #tpu.memory_space<vmem>>, vector<16xi32>,
    %gather3A = tpu.vector_load_idx %arg10[%get3A_83] : memref<128xf32, #tpu.memory_space<vmem>>[vector<16xi32>], vector<16xf32>,
    %get3A_84 = arith.constant 0 : index
    %get3A_85 = tpu.vector_load %arg11[%get3A_84] {strides = array<i32>} : memref<16xf32, #tpu.memory_space<vmem>>, vector<16xf32>,
    %ge3A = arith.constant 8 : i32
    %ge3A_86 = vector.broadcast %ge3A : i32 to vector<16xi32>
    %ge3A_87 = arith.cmpi sge, %iota3A, %ge3A_86 : vector<16xi32>
    %broadcast_in_dim3A_88 = arith.constant 0.000000e+00 : f32
    %broadcast_in_dim3A_89 = vector.broadcast %broadcast_in_dim3A_88 : f32 to vector<16xf32>
    %select_n3A_90 = arith.select %ge3A_87, %gather3A, %broadcast_in_dim3A_89 : vector<16xi1>, vector<16xf32>
    %add3A_91 = arith.addf %get3A_85, %select_n3A_90 : vector<16xf32>
    %swap3A_92 = arith.constant 0 : index
    %swap3A_93 = tpu.vector_load %arg11[%swap3A_92] {strides = array<i32>} : memref<16xf32, #tpu.memory_space<vmem>>, vector<16xf32>,
    tpu.vector_store %arg11[%swap3A_92], %add3A_91 {strides = array<i32>} : memref<16xf32, #tpu.memory_space<vmem>>, vector<16xf32>,
    "tpu.region"() ({
      %run_scoped3A = tpu.sem_alloc : memref<!tpu.dma_semaphore, #tpu.memory_space<semaphore_mem>>
      %dma_start3A_163 = arith.constant 0 : i32
      %dma_start3A_164 = tpu.memref_slice %arg6[%add3A, %dma_start3A_163] : memref<32x16xf32, #tpu.memory_space<hbm>> -> memref<1x16xf32, #tpu.memory_space<hbm>>
      %dma_start3A_165 = tpu.memref_squeeze %dma_start3A_164 : memref<1x16xf32, #tpu.memory_space<hbm>> -> memref<16xf32, #tpu.memory_space<hbm>>
      %dma_start3A_166 = arith.constant 0 : i32
      %dma_start3A_167 = tpu.memref_slice %arg6[%add3A, %dma_start3A_166] : memref<32x16xf32, #tpu.memory_space<hbm>> -> memref<1x16xf32, #tpu.memory_space<hbm>>
      %dma_start3A_168 = tpu.memref_squeeze %dma_start3A_167 : memref<1x16xf32, #tpu.memory_space<hbm>> -> memref<16xf32, #tpu.memory_space<hbm>>
      tpu.enqueue_dma source(%arg11 : memref<16xf32, #tpu.memory_space<vmem>>) target(%dma_start3A_168 : memref<16xf32, #tpu.memory_space<hbm>>) target_semaphore(%run_scoped3A : memref<!tpu.dma_semaphore, #tpu.memory_space<semaphore_mem>>)
      %dma_wait3A_169 = arith.constant 0 : i32
      %dma_wait3A_170 = tpu.memref_slice %arg6[%add3A, %dma_wait3A_169] : memref<32x16xf32, #tpu.memory_space<hbm>> -> memref<1x16xf32, #tpu.memory_space<hbm>>
      %dma_wait3A_171 = tpu.memref_squeeze %dma_wait3A_170 : memref<1x16xf32, #tpu.memory_space<hbm>> -> memref<16xf32, #tpu.memory_space<hbm>>
      %dma_wait3A_172 = arith.constant 0 : i32
      %dma_wait3A_173 = tpu.memref_slice %arg6[%add3A, %dma_wait3A_172] : memref<32x16xf32, #tpu.memory_space<hbm>> -> memref<1x16xf32, #tpu.memory_space<hbm>>
      %dma_wait3A_174 = tpu.memref_squeeze %dma_wait3A_173 : memref<1x16xf32, #tpu.memory_space<hbm>> -> memref<16xf32, #tpu.memory_space<hbm>>
      tpu.wait_dma2 semaphore(%run_scoped3A : memref<!tpu.dma_semaphore, #tpu.memory_space<semaphore_mem>>) src(%arg11 : memref<16xf32, #tpu.memory_space<vmem>>) dst(%dma_wait3A_174 : memref<16xf32, #tpu.memory_space<hbm>>)
      tpu.yield
    }) : () -> ()
    %sub3A_94 = arith.constant 2 : i32
    %sub3A_95 = arith.subi %select_n3A, %sub3A_94 : i32
    %jit3A_96 = arith.constant 3 : i32
    %eq3A_97 = arith.constant 0 : i32
    %eq3A_98 = arith.cmpi eq, %jit3A_96, %eq3A_97 : i32
    %jit3A_99 = arith.constant 1 : i32
    %select_n3A_100 = arith.select %eq3A_98, %jit3A_99, %jit3A_96 : i32
    %rem3A_101 = arith.remsi %sub3A_95, %select_n3A_100 : i32
    %ne3A_102 = arith.constant 0 : i32
    %ne3A_103 = arith.cmpi ne, %rem3A_101, %ne3A_102 : i32
    %lt3A_104 = arith.constant 0 : i32
    %lt3A_105 = arith.cmpi slt, %rem3A_101, %lt3A_104 : i32
    %lt3A_106 = arith.constant 0 : i32
    %lt3A_107 = arith.cmpi slt, %select_n3A_100, %lt3A_106 : i32
    %ne3A_108 = arith.xori %lt3A_105, %lt3A_107 : i1
    %and3A_109 = arith.andi %ne3A_108, %ne3A_103 : i1
    %add3A_110 = arith.addi %rem3A_101, %select_n3A_100 : i32
    %select_n3A_111 = arith.select %and3A_109, %add3A_110, %rem3A_101 : i32
    %mul3A_112 = arith.constant 256 : i32
    %mul3A_113 = arith.muli %select_n3A_111, %mul3A_112 : i32
    %mul3A_114 = arith.constant 256 : i32
    %mul3A_115 = arith.muli %sub3A_95, %mul3A_114 : i32
    %add3A_116 = arith.addi %mul3A_2, %mul3A_115 : i32
    %dma_wait3A = arith.constant 0 : i32
    %dma_wait3A_117 = tpu.memref_slice %arg9[%mul3A_113, %dma_wait3A] : memref<768x128xf32, #tpu.memory_space<vmem>> -> memref<256x128xf32, #tpu.memory_space<vmem>>
    %dma_wait3A_118 = arith.constant 0 : i32
    %dma_wait3A_119 = tpu.memref_slice %arg5[%add3A_116, %dma_wait3A_118] : memref<100000x128xf32, #tpu.memory_space<hbm>> -> memref<256x128xf32, #tpu.memory_space<hbm>>
    %dma_wait3A_120 = arith.constant 0 : i32
    %dma_wait3A_121 = tpu.memref_slice %arg5[%add3A_116, %dma_wait3A_120] : memref<100000x128xf32, #tpu.memory_space<hbm>> -> memref<256x128xf32, #tpu.memory_space<hbm>>
    %dma_wait3A_122 = arith.constant 0 : i32
    %dma_wait3A_123 = tpu.memref_slice %arg9[%mul3A_113, %dma_wait3A_122] : memref<768x128xf32, #tpu.memory_space<vmem>> -> memref<256x128xf32, #tpu.memory_space<vmem>>
    tpu.wait_dma2 semaphore(%arg14 : memref<!tpu.dma_semaphore, #tpu.memory_space<semaphore_mem>>) src(%dma_wait3A_123 : memref<256x128xf32, #tpu.memory_space<vmem>>) dst(%dma_wait3A_121 : memref<256x128xf32, #tpu.memory_space<hbm>>)
    %sub3A_124 = arith.constant 1 : i32
    %sub3A_125 = arith.subi %select_n3A, %sub3A_124 : i32
    %jit3A_126 = arith.constant 3 : i32
    %eq3A_127 = arith.constant 0 : i32
    %eq3A_128 = arith.cmpi eq, %jit3A_126, %eq3A_127 : i32
    %jit3A_129 = arith.constant 1 : i32
    %select_n3A_130 = arith.select %eq3A_128, %jit3A_129, %jit3A_126 : i32
    %rem3A_131 = arith.remsi %sub3A_125, %select_n3A_130 : i32
    %ne3A_132 = arith.constant 0 : i32
    %ne3A_133 = arith.cmpi ne, %rem3A_131, %ne3A_132 : i32
    %lt3A_134 = arith.constant 0 : i32
    %lt3A_135 = arith.cmpi slt, %rem3A_131, %lt3A_134 : i32
    %lt3A_136 = arith.constant 0 : i32
    %lt3A_137 = arith.cmpi slt, %select_n3A_130, %lt3A_136 : i32
    %ne3A_138 = arith.xori %lt3A_135, %lt3A_137 : i1
    %and3A_139 = arith.andi %ne3A_138, %ne3A_133 : i1
    %add3A_140 = arith.addi %rem3A_131, %select_n3A_130 : i32
    %select_n3A_141 = arith.select %and3A_139, %add3A_140, %rem3A_131 : i32
    %mul3A_142 = arith.constant 256 : i32
    %mul3A_143 = arith.muli %select_n3A_141, %mul3A_142 : i32
    %mul3A_144 = arith.constant 256 : i32
    %mul3A_145 = arith.muli %sub3A_125, %mul3A_144 : i32
    %add3A_146 = arith.addi %mul3A_2, %mul3A_145 : i32
    %dma_wait3A_147 = arith.constant 0 : i32
    %dma_wait3A_148 = tpu.memref_slice %arg9[%mul3A_143, %dma_wait3A_147] : memref<768x128xf32, #tpu.memory_space<vmem>> -> memref<256x128xf32, #tpu.memory_space<vmem>>
    %dma_wait3A_149 = arith.constant 0 : i32
    %dma_wait3A_150 = tpu.memref_slice %arg5[%add3A_146, %dma_wait3A_149] : memref<100000x128xf32, #tpu.memory_space<hbm>> -> memref<256x128xf32, #tpu.memory_space<hbm>>
    %dma_wait3A_151 = arith.constant 0 : i32
    %dma_wait3A_152 = tpu.memref_slice %arg5[%add3A_146, %dma_wait3A_151] : memref<100000x128xf32, #tpu.memory_space<hbm>> -> memref<256x128xf32, #tpu.memory_space<hbm>>
    %dma_wait3A_153 = arith.constant 0 : i32
    %dma_wait3A_154 = tpu.memref_slice %arg9[%mul3A_143, %dma_wait3A_153] : memref<768x128xf32, #tpu.memory_space<vmem>> -> memref<256x128xf32, #tpu.memory_space<vmem>>
    tpu.wait_dma2 semaphore(%arg14 : memref<!tpu.dma_semaphore, #tpu.memory_space<semaphore_mem>>) src(%dma_wait3A_154 : memref<256x128xf32, #tpu.memory_space<vmem>>) dst(%dma_wait3A_152 : memref<256x128xf32, #tpu.memory_space<hbm>>)
    %not3A_155 = arith.constant true
    %not3A_156 = arith.xori %eq3A_3, %not3A_155 : i1
    %convert_element_type3A_157 = arith.extui %not3A_156 : i1 to i32
    %cond3A_158 = arith.constant 0 : i32
    %cond3A_159 = arith.cmpi ne, %convert_element_type3A_157, %cond3A_158 : i32
    scf.if %cond3A_159 {
      %add3A_163 = arith.constant 3072 : i32
      %add3A_164 = arith.addi %mul3A_2, %add3A_163 : i32
      %dma_wait3A_165 = arith.constant 0 : i32
      %dma_wait3A_166 = tpu.memref_slice %arg9[%mul3A_62, %dma_wait3A_165] : memref<768x128xf32, #tpu.memory_space<vmem>> -> memref<56x128xf32, #tpu.memory_space<vmem>>
      %dma_wait3A_167 = arith.constant 0 : i32
      %dma_wait3A_168 = tpu.memref_slice %arg5[%add3A_164, %dma_wait3A_167] : memref<100000x128xf32, #tpu.memory_space<hbm>> -> memref<56x128xf32, #tpu.memory_space<hbm>>
      %dma_wait3A_169 = arith.constant 0 : i32
      %dma_wait3A_170 = tpu.memref_slice %arg5[%add3A_164, %dma_wait3A_169] : memref<100000x128xf32, #tpu.memory_space<hbm>> -> memref<56x128xf32, #tpu.memory_space<hbm>>
      %dma_wait3A_171 = arith.constant 0 : i32
      %dma_wait3A_172 = tpu.memref_slice %arg9[%mul3A_62, %dma_wait3A_171] : memref<768x128xf32, #tpu.memory_space<vmem>> -> memref<56x128xf32, #tpu.memory_space<vmem>>
      tpu.wait_dma2 semaphore(%arg14 : memref<!tpu.dma_semaphore, #tpu.memory_space<semaphore_mem>>) src(%dma_wait3A_172 : memref<56x128xf32, #tpu.memory_space<vmem>>) dst(%dma_wait3A_170 : memref<56x128xf32, #tpu.memory_space<hbm>>)
    } else {
    }
    %convert_element_type3A_160 = arith.extui %eq3A_3 : i1 to i32
    %cond3A_161 = arith.constant 0 : i32
    %cond3A_162 = arith.cmpi ne, %convert_element_type3A_160, %cond3A_161 : i32
    scf.if %cond3A_162 {
      %add3A_163 = arith.constant 2816 : i32
      %add3A_164 = arith.addi %mul3A_2, %add3A_163 : i32
      %dma_wait3A_165 = arith.constant 0 : i32
      %dma_wait3A_166 = tpu.memref_slice %arg9[%mul3A_62, %dma_wait3A_165] : memref<768x128xf32, #tpu.memory_space<vmem>> -> memref<216x128xf32, #tpu.memory_space<vmem>>
      %dma_wait3A_167 = arith.constant 0 : i32
      %dma_wait3A_168 = tpu.memref_slice %arg5[%add3A_164, %dma_wait3A_167] : memref<100000x128xf32, #tpu.memory_space<hbm>> -> memref<216x128xf32, #tpu.memory_space<hbm>>
      %dma_wait3A_169 = arith.constant 0 : i32
      %dma_wait3A_170 = tpu.memref_slice %arg5[%add3A_164, %dma_wait3A_169] : memref<100000x128xf32, #tpu.memory_space<hbm>> -> memref<216x128xf32, #tpu.memory_space<hbm>>
      %dma_wait3A_171 = arith.constant 0 : i32
      %dma_wait3A_172 = tpu.memref_slice %arg9[%mul3A_62, %dma_wait3A_171] : memref<768x128xf32, #tpu.memory_space<vmem>> -> memref<216x128xf32, #tpu.memory_space<vmem>>
      tpu.wait_dma2 semaphore(%arg14 : memref<!tpu.dma_semaphore, #tpu.memory_space<semaphore_mem>>) src(%dma_wait3A_172 : memref<216x128xf32, #tpu.memory_space<vmem>>) dst(%dma_wait3A_170 : memref<216x128xf32, #tpu.memory_space<hbm>>)
    } else {
    }
    return
  }
}

module attributes {stable_mosaic.version = 14 : i64} {
  func.func @_table_body(%arg0: memref<128x128xf32, #tpu.memory_space<vmem>>, %arg1: memref<1x128xf32, #tpu.memory_space<vmem>>, %arg2: memref<128x128xf32, #tpu.memory_space<vmem>>, %arg3: memref<128x1xf32, #tpu.memory_space<vmem>>) attributes {dimension_semantics = [], scalar_prefetch = 0 : i64, scratch_operands = 0 : i64, tpu.core_type = #tpu.core_type<tc>} {
    %get3A = arith.constant 0 : index
    %get3A_0 = arith.constant 0 : index
    %get3A_1 = vector.load %arg0[%get3A, %get3A_0] : memref<128x128xf32, #tpu.memory_space<vmem>>, vector<128x128xf32>
    %get3A_2 = arith.constant 0 : index
    %get3A_3 = arith.constant 0 : index
    %get3A_4 = vector.load %arg1[%get3A_2, %get3A_3] : memref<1x128xf32, #tpu.memory_space<vmem>>, vector<1x128xf32>
    %mul3A = vector.broadcast %get3A_4 : vector<1x128xf32> to vector<128x128xf32>
    %mul3A_5 = arith.mulf %get3A_1, %mul3A : vector<128x128xf32>
    %reduce_sum3A = arith.constant dense<0.000000e+00> : vector<128xf32>
    %reduce_sum3A_6 = vector.multi_reduction <add>, %mul3A_5, %reduce_sum3A [1] : vector<128x128xf32> to vector<128xf32>
    %broadcast_in_dim3A = vector.shape_cast %reduce_sum3A_6 : vector<128xf32> to vector<128x1xf32>
    %div3A = vector.broadcast %broadcast_in_dim3A : vector<128x1xf32> to vector<128x128xf32>
    %div3A_7 = arith.divf %mul3A_5, %div3A : vector<128x128xf32>
    %swap3A = arith.constant 0 : index
    %swap3A_8 = arith.constant 0 : index
    %swap3A_9 = vector.load %arg2[%swap3A, %swap3A_8] : memref<128x128xf32, #tpu.memory_space<vmem>>, vector<128x128xf32>
    tpu.vector_store %arg2[%swap3A, %swap3A_8], %div3A_7 {strides = array<i32>} : memref<128x128xf32, #tpu.memory_space<vmem>>, vector<128x128xf32>,
    %log3A = math.log %mul3A_5 : vector<128x128xf32>
    %mul3A_10 = arith.mulf %div3A_7, %log3A : vector<128x128xf32>
    %reduce_sum3A_11 = arith.constant dense<0.000000e+00> : vector<128xf32>
    %reduce_sum3A_12 = vector.multi_reduction <add>, %mul3A_10, %reduce_sum3A_11 [1] : vector<128x128xf32> to vector<128xf32>
    %broadcast_in_dim3A_13 = vector.shape_cast %reduce_sum3A_12 : vector<128xf32> to vector<128x1xf32>
    %swap3A_14 = arith.constant 0 : index
    %swap3A_15 = arith.constant 0 : index
    %swap3A_16 = vector.load %arg3[%swap3A_14, %swap3A_15] : memref<128x1xf32, #tpu.memory_space<vmem>>, vector<128x1xf32>
    tpu.vector_store %arg3[%swap3A_14, %swap3A_15], %broadcast_in_dim3A_13 {strides = array<i32>} : memref<128x1xf32, #tpu.memory_space<vmem>>, vector<128x1xf32>,
    return
  }
}

</mosaic_0001>

<sc_bundles>
// kernel: kernel.4.cloned.1.call-start
scs
__scs_entry_jumppad:
0x0: {  	(pc) =	sbr.rel $0x88, $3  }
0x1: {  	(tag) =	ssettag $0x0;
	lr =	simm.s32 $0x1  }
0x2: {  	[smem:$0x3F9E] =	sst lr;
	_ =	strace $0xD0000000  }
0x3: {  	_ = 	snop  }
0x4: {  	_ = 	snop  }
0x5: {  	_ = 	snop  }
0x6: {  	_ = 	snop  }
0x7: {  	_ = 	snop  }
__scs_overlays_trampoline_lowered:
0x8: {  	[smem:$0x3FAD] =	sst s0  }
0x9: {  	[smem:$0x3FAE] =	sst s1  }
0xa: {  	[smem:$0x3FAF] =	sst s2  }
0xb: {  	[smem:$0x3FB0] =	sst s3  }
0xc: {  	[smem:$0x3FB1] =	sst s4  }
0xd: {  	[smem:$0x3FB2] =	sst s5  }
0xe: {  	[smem:$0x3FB3] =	sst s6  }
0xf: {  	[smem:$0x3FB4] =	sst s7  }
0x10: {  	[smem:$0x3FB5] =	sst s8  }
0x11: {  	[smem:$0x3FB6] =	sst s9;
	s0 =	simm.s32 @!p0 $0x0  }
0x12: {  	s1 =	sld [smem:$0x3F9C];
	s0 =	simm.s32 @p0 $0x1  }
0x13: {  	[smem:$0x3FB7] =	sst s0;
	s0 =	simm.s32 @!p1 $0x0  }
0x14: {  	s2 =	sld [smem:$0x3F9B];
	s0 =	simm.s32 @p1 $0x1  }
0x15: {  	[smem:$0x3FB8] =	sst s0;
	s0 =	simm.s32 @!p2 $0x0  }
0x16: {  	s3 =	sld [smem:$0x3FDB];
	s0 =	simm.s32 @p2 $0x1  }
0x17: {  	s4 =	simm.s32 $0x1BF5;
	[smem:$0x3FBA] =	sst s0  }
0x18: {  	s0 =	sld [smem:$0x3F9D];
	_ =	swait.ge [sflag:s4], $0x0  }
0x19: {  	s7 =	sld [smem:$0x3F9E]  }
0x1a: {  	s8 =	sadd.s32 $0xFFFFE003, lr  }
0x1b: {  	s9 =	sadd.s32 $0xFFFFFEF7, lr;
	s5 =	simm.s32 $0xFFFFFFFF;
	p2 =	slt.u32 s8, $0xFFFFF086  }
0x1c: {  	p1 =	slt.u32 s9, $0xF7A;
	s5 =	simm.s32 @!p2 $0x0  }
0x1d: {  	s5 =	simm.s32 @p1 $0x1;
	p0 =	seq.s32 s7, s2  }
0x1e: {  	s7 =	smul.u32 @!p0 $0xF7A, s2;
	p2 =	seq.s32 @!p0 s5, $0x0  }
0x1f: {  	s9 =	smul.u32 $0xF7A, s1;
	s8 =	simm.s32 @!p0 $0x1BF5;
	p2 =	por !p2, p0  }
0x20: {  	[sflag:s8] =	ssyncset.s32 @!p0 $0xFFFFF086;
	s6 =	sadd.s32 @!p0 s3, s7;
	s7 =	simm.s32 @!p0 $0x108  }
0x21: {  	s3 =	sadd.s32 s3, s9;
	s6 =	sadd.s32 @!p0 $0x88, s6;
	s7 =	simm.s32 @p2 $0x1082  }
0x22: {  	[simem:s7], [sflag:s8] =	dma.local @!p0 [hbm:s6], $0xF7A  }
0x23: {  	s9 =	sor.u32 $0xD0000000, s2;
	s6 =	simm.s32 $0x108;
	_ =	swait.ge @!p0 [sflag:s8], $0x0  }
0x24: {  	s3 =	sadd.s32 $0x88, s3;
	s6 =	simm.s32 @!p1 $0x1082;
	[sflag:s4] =	ssyncset.s32 $0xFFFFF086  }
0x25: {  	[simem:s6], [sflag:s4] =	dma.local [hbm:s3], $0xF7A  }
0x26: {  	[smem:$0x3F9E] =	sst s1;
	(tag) =	ssettag s2;
	_ =	strace s9  }
0x27: {  	s1 =	sld [smem:$0x3FAE]  }
0x28: {  	s2 =	sld [smem:$0x3FAF]  }
0x29: {  	s4 =	sld [smem:$0x3FB1]  }
0x2a: {  	p0 =	seq.s32 s5, $0x0;
	s5 =	sld [smem:$0x3FB2]  }
0x2b: {  	s6 =	sld [smem:$0x3FB3]  }
0x2c: {  	s7 =	sld [smem:$0x3FB4]  }
0x2d: {  	s3 =	simm.s32 $0x108;
	s8 =	sld [smem:$0x3FB5]  }
0x2e: {  	s3 =	simm.s32 @!p0 $0x1082;
	s9 =	sld [smem:$0x3FB6]  }
0x2f: {  	lr =	sadd.s32 s0, s3;
	s0 =	sld [smem:$0x3FAD]  }
0x30: {  	s3 =	sld [smem:$0x3FB0]  }
0x31: {  	[smem:$0x3FB9] =	sst s10  }
0x32: {  	s10 =	sld [smem:$0x3FB7];
	_ =	sdelay $0x3  }
0x33: {  	p0 =	seq.s32 s10, $0x1;
	s10 =	sld [smem:$0x3FB9];
	_ =	sdelay $0x3  }
0x34: {  	[smem:$0x3FB9] =	sst s10  }
0x35: {  	s10 =	sld [smem:$0x3FB8];
	_ =	sdelay $0x3  }
0x36: {  	p1 =	seq.s32 s10, $0x1;
	s10 =	sld [smem:$0x3FB9];
	_ =	sdelay $0x3  }
0x37: {  	[smem:$0x3FB9] =	sst s10  }
0x38: {  	s10 =	sld [smem:$0x3FBA]  }
0x39: {  	_ = 	snop;
	(pc) =	sbr.ind lr, $3  }
0x3a: {  	_ = 	snop  }
0x3b: {  	_ = 	snop  }
0x3c: {  	p2 =	seq.s32 s10, $0x1;
	s10 =	sld [smem:$0x3FB9]  }
0x3d: {  	_ =	shalt  }
0x3e: {  	_ =	shalt  }
0x3f: {  	_ =	shalt  }
0x40: {  	_ =	shalt  }
0x41: {  	_ =	shalt  }
0x42: {  	_ =	shalt  }
0x43: {  	_ =	shalt  }
0x44: {  	_ =	shalt  }
0x45: {  	_ =	shalt  }
0x46: {  	_ =	shalt  }
0x47: {  	_ =	shalt  }
0x48: {  	_ =	shalt  }
0x49: {  	_ =	shalt  }
0x4a: {  	_ =	shalt  }
0x4b: {  	_ =	shalt  }
0x4c: {  	_ =	shalt  }
0x4d: {  	_ =	shalt  }
0x4e: {  	_ =	shalt  }
0x4f: {  	_ =	shalt  }
0x50: {  	_ =	shalt  }
0x51: {  	_ =	shalt  }
0x52: {  	_ =	shalt  }
0x53: {  	_ =	shalt  }
0x54: {  	_ =	shalt  }
0x55: {  	_ =	shalt  }
0x56: {  	_ =	shalt  }
0x57: {  	_ =	shalt  }
0x58: {  	_ =	shalt  }
0x59: {  	_ =	shalt  }
0x5a: {  	_ =	shalt  }
0x5b: {  	_ =	shalt  }
0x5c: {  	_ =	shalt  }
0x5d: {  	_ =	shalt  }
0x5e: {  	_ =	shalt  }
0x5f: {  	_ =	shalt  }
0x60: {  	_ =	shalt  }
0x61: {  	_ =	shalt  }
0x62: {  	_ =	shalt  }
0x63: {  	_ =	shalt  }
0x64: {  	_ =	shalt  }
0x65: {  	_ =	shalt  }
0x66: {  	_ =	shalt  }
0x67: {  	_ =	shalt  }
0x68: {  	_ =	shalt  }
0x69: {  	_ =	shalt  }
0x6a: {  	_ =	shalt  }
0x6b: {  	_ =	shalt  }
0x6c: {  	_ =	shalt  }
0x6d: {  	_ =	shalt  }
0x6e: {  	_ =	shalt  }
0x6f: {  	_ =	shalt  }
0x70: {  	_ =	shalt  }
0x71: {  	_ =	shalt  }
0x72: {  	_ =	shalt  }
0x73: {  	_ =	shalt  }
0x74: {  	_ =	shalt  }
0x75: {  	_ =	shalt  }
0x76: {  	_ =	shalt  }
0x77: {  	_ =	shalt  }
0x78: {  	_ =	shalt  }
0x79: {  	_ =	shalt  }
0x7a: {  	_ =	shalt  }
0x7b: {  	_ =	shalt  }
0x7c: {  	_ =	shalt  }
0x7d: {  	_ =	shalt  }
0x7e: {  	_ =	shalt  }
0x7f: {  	_ =	shalt  }
0x80: {  	_ =	shalt  }
0x81: {  	_ =	shalt  }
0x82: {  	_ =	shalt  }
0x83: {  	_ =	shalt  }
0x84: {  	_ =	shalt  }
0x85: {  	_ =	shalt  }
0x86: {  	_ =	shalt  }
0x87: {  	_ =	shalt  }
.Lfunc_end0:
.L_simem_size_0:
called_computation_lowered:
.L_overlay_start_0:
0x88: {  	s2 =	sld [smem:$0x3FD9]  }
0x89: {  	s3 =	sld [smem:$0x3FFE];
	_ =	sdelay $0x1  }
0x8a: {  	s1 =	srdreg.scid  }
0x8b: {  	s0 =	sand.u32 $0x1, s1  }
0x8c: {  	s14 =	sshll.u32 s0, $0xA;
	s2 =	sadd.s32 s3, s2  }
0x8d: {  	s2 =	sadd.s32 s2, s14  }
0x8e: {  	[smem:$0x3FC5] =	sst s2  }
0x8f: {  	_ = 	snop  }
0x90: {  	s2 =	sld [smem:$0x3FD0];
	_ =	sdelay $0x2  }
0x91: {  	s4 =	simm.s32 $0xA;
	s5 =	simm.s32 $0x10;
	s15 =	sld [smem:$0x3FC9]  }
0x92: {  	[smem:s5], [sflag:s4] =	dma.local [hbm:s2], $0x1  }
0x93: {  	_ =	swait.eq [sflag:s4], $0x1  }
0x94: {  	[sflag:s4] =	ssyncset.done $0x0  }
0x95: {  	s16 =	sld [smem:$0x10];
	[sflag:s4] =	ssyncadd.s32 $0xFFFFFFFF  }
0x96: {  	s17 =	sld [smem:$0x11];
	(tm) =	ssettm $0x1  }
0x97: {  	s18 =	sld [smem:$0x3FFB];
	_ =	sdelay $0x3  }
0x98: {  	_ =	strace s18  }
0x99: {  	s5 =	sld [smem:$0x3FFC];
	_ =	sdelay $0x3  }
0x9a: {  	_ =	strace s5  }
0x9b: {  	s5 =	sld [smem:$0x3FFD];
	_ =	sdelay $0x3  }
0x9c: {  	_ =	strace s5  }
0x9d: {  	_ =	strace $0x8FFFFFFF  }
0x9e: {  	s19 =	sld [smem:$0x3FDB];
	_ =	sdelay $0x1  }
0x9f: {  	s6 =	simm.s32 $_scs_section_size  }
0xa0: {  	s7 =	simm.s32 $_size__tile_overlayer_lowered;
	s8 =	simm.s32 $_tile_overlayer_lowered  }
0xa1: {  	s22 =	simm.s32 $0x1BFF;
	s21 =	sshll.u32 s8, $0x1;
	s5 =	sadd.s32 s6, s19  }
0xa2: {  	s9 =	simm.s32 $0x0;
	s20 =	sshll.u32 s7, $0x1;
	s7 =	sadd.s32 s21, s5  }
0xa3: {  	[timem:s9], [sflag:s22] =	dma.local [hbm:s7], s20  }
0xa4: {  	_ =	swait.ge [sflag:s22], s20  }
0xa5: {  	s6 =	ssub.s32 $0x0, s20;
	[sflag:s22] =	ssyncset.done $0x0  }
0xa6: {  	[sflag:s22] =	ssyncadd.s32 s6;
	_ =	sdelay $0x1  }
0xa7: {  	s23 =	simm.s32 $0x1B8B  }
0xa8: {  	_ =	swait.ge [sflag:s23], $0x1  }
0xa9: {  	[sflag:s23] =	ssyncset.done $0x0  }
0xaa: {  	s25 =	simm.s32 $0x1B8E;
	s24 =	sld [smem:$0x3FFE];
	[sflag:s23] =	ssyncadd.s32 $0xFFFFFFFF  }
0xab: {  	s26 =	simm.s32 $execute0_lowered;
	[smem:$0x3FD2] =	sst s25  }
0xac: {  	s7 =	sshll.u32 s26, $0x1;
	_ =	strace $0x80000046;
	[dreg:$0x1] =	wrdreg $0xFFFFFFFF  }
0xad: {  	s28 =	simm.s32 $_size_execute0_lowered;
	s5 =	sadd.s32 s5, s7;
	[dreg:$0x0] =	wrdreg $0x0  }
0xae: {  	s7 =	sshll.u32 s28, $0x1;
	[dreg:$0x2] =	wrdreg s5  }
0xaf: {  	[dreg:$0x3] =	wrdreg s7  }
0xb0: {  	[dreg:$0x4] =	wrdreg $0xC0  }
0xb1: {  	_ =	task [dreg:s9], $0x5FFFF  }
0xb2: {  	[dreg:$0x1] =	wrdreg $0xFFFFFFFF  }
0xb3: {  	[dreg:$0x0] =	wrdreg $0x60  }
0xb4: {  	[dreg:$0x2] =	wrdreg s24  }
0xb5: {  	[dreg:$0x3] =	wrdreg s16  }
0xb6: {  	[dreg:$0x4] =	wrdreg s15  }
0xb7: {  	[dreg:$0x5] =	wrdreg s17  }
0xb8: {  	[dreg:$0x6] =	wrdreg $0xC800  }
0xb9: {  	[dreg:$0x7] =	wrdreg $0x9  }
0xba: {  	_ =	task.clear_ibuf [dreg:s9], $0x8FFFF;
	_ =	strace $0x90000046  }
0xbb: {  	s29 =	simm.s32 $0x9;
	_ =	strace $0x80000048  }
0xbc: {  	_ =	swait.ge [sflag:s29], $0x1  }
0xbd: {  	[sflag:s29] =	ssyncadd.s32 $0xFFFFFFFF  }
0xbe: {  	_ =	strace $0x90000048  }
0xbf: {  	_ =	sfence  }
0xc0: {  	s30 =	sld [smem:$0x0];
	_ =	sdelay $0x2  }
0xc1: {  	s31 =	sshll.u32 s1, $0xD;
	s1 =	sshrl.u32 s1, $0x2  }
0xc2: {  	s3 =	sand.u32 $0x4000, s31;
	s1 =	sadd.s32 s1, s30  }
0xc3: {  	s0 =	sor.u32 s3, s0;
	s1 =	sshll.u32 s1, $0x11  }
0xc4: {  	s0 =	sor.u32 s1, s0  }
0xc5: {  	s0 =	sadd.s32 $0x8F2B, s0  }
0xc6: {  	[sflag:s0] =	ssyncadd.remote.s32 $0x1  }
0xc7: {  	_ =	sfence.sel $0xFFFF  }
0xc8: {  	[dreg:$0x0] =	wrdreg $0xFFFFFFFF;
	(pc) =	sbr.abs _section_cstart, $3  }
0xc9: {  	[dreg:$0x1] =	wrdreg $0xFFFFFFFF  }
0xca: {  	_ =	task.clear_ibuf [dreg:s9], $0x2FFFF;
	_ =	strace $0x9FFFFFFF  }
0xcb: {  	(tm) =	ssettm $0x7FFFFFFF  }
tec
execute0_lowered:
.L_overlay_start_1:
0x0: {  	(tag) =	ssettag $0x1  }
0x1: {  	s0 =	rddreg [dreg:$0x0]  }
0x2: {  	s1 =	rddreg [dreg:$0x2]  }
0x3: {  	s4 =	rddreg [dreg:$0x3]  }
0x4: {  	s3 =	srdreg.scid;
	s5 =	stileid.u32  }
0x5: {  	s2 =	rddreg [dreg:$0x4];
	s14 =	simm.s32 $0x1;
	s15 =	simm.s32 $0x80  }
0x6: {  	s17 =	simm.s32 $0x2;
	s19 =	simm.s32 $0x4;
	s20 =	simm.s32 $0x3  }
0x7: {  	s21 =	simm.s32 $0x0;
	s10 =	sand.u32 $0x1, s3;
	s6 =	sshll.u32 s5, $0x1  }
0x8: {  	s3 =	simm.s32 $0x0;
	s9 =	sadd.s32 $0x600, s0;
	s30 =	smul.u32 $0x18700, s5  }
0x9: {  	p0 =	sne.s32 s5, $0x0;
	s13 =	sor.u32 s10, s6;
	[smem:$0x7FF] =	sst s3  }
0xa: {  	s25 =	ssub.s32 $0x2, s10;
	s31 =	smul.u32 $0xC380, s10;
	s12 =	sshrl.u32 @!p0 s2, $0x3  }
0xb: {  	s6 =	smul.u32 $0xC38, s13;
	_ =	strace $0x80000047;
	s7 =	sshll.u32 s13, $0x4  }
0xc: {  	s8 =	smul.u32 $0x61C00, s13;
	[dreg:$0x7] =	wrdreg s9;
	s26 =	sshrl.u32 s25, $0x1  }
0xd: {  	p1 =	seq.s32 s13, $0x1F;
	s13 =	simm.s32 $0x19080;
	s0 =	sadd.s32 s7, s0  }
0xe: {  	s11 =	ssub.s32 s25, s26;
	s6 =	sshrl.u32 s6, $0x3;
	s8 =	sshrl.u32 s8, $0x3  }
0xf: {  	s9 =	sadd.s32 $0xE00, s0;
	s10 =	smax.u32 s11, $0x1;
	s6 =	sadd.s32 s1, s6  }
0x10: {  	s28 =	sadd.s32 s4, s8;
	s1 =	sadd.s32 $0x2F59, s1;
	[dreg:$0x8] =	wrdreg s6  }
0x11: {  	[dreg:$0x9] =	wrdreg s1;
	s29 =	sadd.s32 $0xC000, s28;
	s1 =	sadd.s32 s30, s4  }
0x12: {  	v0 =	vimm.f32 $0.0e+00;
	vm0 =	vmmov $0xff;
	s8 =	sadd.s32 $0x185C80, s4;
	[dreg:$0xa] =	wrdreg s29;
	s11 =	sadd.s32 s31, s1  }
.LBB2_1:
0x13: {  	s0 =	simm.s32 @!p0 $0x1C04;
	s1 =	rddreg [dreg:$0x7]  }
0x14: {  	[spmem:s12], [sflag:s0] =	dma.local @!p0 [hbm:s1], $0x800  }
0x15: {  	s0 =	simm.s32 @!p0 $0x4  }
0x16: {  	_ =	swait.ge @!p0 [sflag:s0], $0x800  }
0x17: {  	[sflag:s0] =	ssyncset.done @!p0 $0x0  }
0x18: {  	[sflag:s0] =	ssyncadd.s32 @!p0 $0xFFFFF800  }
0x19: {  	s0 =	rddreg [dreg:$0x1]  }
0x1a: {  	[tilespmem:s13], [sflag:$0x1] =	stream.linear.gather [hbm4b:s0+s3], $0x80, $0x38;
	[tilespmem:$0x19180] =	vst v63  }
0x1b: {  	s23 =	simm.s32 @p1 $0x0;
	s0 =	rddreg [dreg:$0x9]  }
0x1c: {  	v1 =	vimm.s32 @p1 $0x0;
	[tilespmem:s23], [sflag:$0x1] =	stream.linear.gather @p1 [hbm4b:s0+s23], $0xBD8, $0x38;
	[tilespmem:$0x19180] =	vst v63  }
0x1d: {  	s22 =	simm.s32 @!p1 $0x0;
	s0 =	rddreg [dreg:$0x8];
	[tilespmem:$0xBD8] =	vst @p1 v1  }
0x1e: {  	v1 =	vimm.s32 @!p1 $0x0;
	[tilespmem:s22], [sflag:$0x1] =	stream.linear.gather @!p1 [hbm4b:s0+s22], $0xC38, $0x38;
	[tilespmem:$0x19180] =	vst v63  }
0x1f: {  	[tilespmem:$0xC38] =	vst @!p1 v1  }
0x20: {  	_ =	swait.ge [sflag:s14], $0x80  }
0x21: {  	[sflag:s14] =	ssyncset.done $0x0  }
0x22: {  	[sflag:s14] =	ssyncadd.s32 $0xFFFFFF80  }
0x23: {  	s0 =	simm.s32 @p1 $0x1;
	[bflag:$0x0] =	sbarrier.arrive $0xFFFF  }
0x24: {  	_ =	swait.ge @p1 [sflag:s0], $0xBD8  }
0x25: {  	[sflag:s0] =	ssyncset.done @p1 $0x0  }
0x26: {  	[sflag:s0] =	ssyncadd.s32 @p1 $0xFFFFF428;
	s0 =	simm.s32 @!p1 $0x1  }
0x27: {  	_ =	swait.ge @!p1 [sflag:s0], $0xC38  }
0x28: {  	s24 =	simm.s32 @!p1 $0xC;
	[sflag:s0] =	ssyncset.done @!p1 $0x0  }
0x29: {  	s24 =	simm.s32 @p1 $0xB;
	[sflag:s0] =	ssyncadd.s32 @!p1 $0xFFFFF3C8  }
0x2a: {  	s25 =	simm.s32 $0x1080;
	s5 =	sshll.u32 s24, $0xA;
	[tilespmem:$0x19100] =	vst v0  }
0x2b: {  	[tilespmem:s25], [sflag:$0x2] =	stream.indirect.gather [spmem:s2], $0x80, s3, s15, $0xb8;
	[tilespmem:$0x19180] =	vst v63  }
0x2c: {  	s4 =	simm.s32 $0x5080;
	[dreg:$0x6] =	wrdreg s5  }
0x2d: {  	[tilespmem:s4], [sflag:$0x2] =	stream.indirect.gather [spmem:s2], $0x80, s15, s15, $0xb8;
	[tilespmem:$0x19180] =	vst v63  }
0x2e: {  	_ =	swait.ge [sflag:s17], $0x4000  }
0x2f: {  	s6 =	smulhi.u32 $0xAAAAAAAB, s14;
	[sflag:s17] =	ssyncset.done $0x0  }
0x30: {  	p2 =	por $0x1, $0x1;
	[sflag:s17] =	ssyncadd.s32 $0xFFFFC000  }
0x31: {  	s7 =	smulhi.u32 $0xAAAAAAAB, s3;
	s0 =	sshrl.u32 s6, $0x1;
	_ =	swait.ge [sflag:s17], $0x4000  }
0x32: {  	p3 =	sle.u32 s24, $0x1;
	s0 =	smul.u32 $0xFFFA0000, s0;
	[sflag:s17] =	ssyncset.done $0x0  }
0x33: {  	s1 =	sshrl.u32 s7, $0x1;
	s4 =	simm.s32 @!p2 $0x3;
	[sflag:s17] =	ssyncadd.s32 $0xFFFFC000  }
0x34: {  	s16 =	simm.s32 @!p3 $0x100;
	s0 =	sshra.s32 s0, $0x2;
	_ =	swait.ge @!p2 [sflag:s4], $0x8000  }
0x35: {  	s18 =	simm.s32 @!p3 $0x80;
	s0 =	sadd.s32 $0x1080, s0;
	[sflag:s4] =	ssyncset.done @!p2 $0x0  }
0x36: {  	s1 =	smul.u32 $0xFFFA0000, s1;
	s5 =	sadd.s32 @!p3 $0x8000, s0;
	[sflag:s4] =	ssyncadd.s32 @!p2 $0xFFFF8000  }
0x37: {  	[tilespmem:s5], [sflag:$0x2] =	stream.indirect.gather @!p3 [spmem:s2], $0x80, s16, s18, $0xb8;
	[tilespmem:$0x19180] =	vst v63  }
0x38: {  	s1 =	sshra.s32 s1, $0x2;
	s0 =	sadd.s32 @!p3 $0xC000, s0;
	s4 =	simm.s32 @!p3 $0x180  }
0x39: {  	[tilespmem:s0], [sflag:$0x2] =	stream.indirect.gather @!p3 [spmem:s2], $0x80, s4, s18, $0xb8;
	[tilespmem:$0x19180] =	vst v63  }
0x3a: {  	s31 =	simm.s32 $0x0;
	s16 =	sadd.s32 $0x1080, s1  }
0x3b: {  	[hbm4b:s11+s3] =	stream.linear.scatter [tilespmem:s16], [sflag:$0x3], $0x8000, $0x38;
	[tilespmem:$0x19180] =	vst v63  }
0x3c: {  	v1 =	vld [tilespmem:s31+$0x0]  }
0x3d: {  	v3 =	vld [tilespmem:s31+$0x10]  }
0x3e: {  	v4 =	vld [tilespmem:s31+$0x20]  }
0x3f: {  	v5 =	vld [tilespmem:s31+$0x30]  }
0x40: {  	v8 =	vld [tilespmem:s31+$0x40]  }
0x41: {  	v9 =	vld [tilespmem:$0x19100]  }
0x42: {  	v10 =	vld [tilespmem:s31+$0x50]  }
0x43: {  	v2 =	vld [tilespmem:s31+$0x60]  }
0x44: {  	s18 =	rddreg [dreg:$0x6];
	v1 =	vld.idx.msk [tilespmem:v1+s13+$0x0], $0xffff  }
0x45: {  	p2 =	sne.s32 s18, $0x400;
	v7 =	vld.idx.msk [tilespmem:v3+s13+$0x0], $0xffff  }
.Ltmp0:
0x46: {  	v6 =	vld.idx.msk [tilespmem:v4+s13+$0x0], $0xffff;
	(pc) =	sbr.rel @!p2 .LBB2_3-.Ltmp0, $4  }
0x47: {  	v5 =	vld.idx.msk [tilespmem:v5+s13+$0x0], $0xffff  }
0x48: {  	v3 =	vld.idx.msk [tilespmem:v8+s13+$0x0], $0xffff  }
0x49: {  	s26 =	simm.s32 $0x400;
	v4 =	vld [tilespmem:s31+$0x70]  }
0x4a: {  	s28 =	sadd.s32 $0x1000, s11;
	s29 =	simm.s32 $0x1;
	s30 =	simm.s32 $0x1;
	v8 =	vadd.f32 v1, v9;
	v1 =	vld.idx.msk [tilespmem:v10+s13+$0x0], $0xffff  }
.LBB2_2:
0x4b: {  	_ = 	snop  }
0x4c: {  	v9 =	vld [tilespmem:s31+$0x80];
	v7 =	vadd.f32 v7, v8;
	_ =	sdelay $0x1  }
0x4d: {  	v8 =	vld [tilespmem:s31+$0x90];
	v6 =	vadd.f32 v6, v7  }
0x4e: {  	v10 =	vld [tilespmem:s31+$0xA0]  }
0x4f: {  	v7 =	vld [tilespmem:s31+$0xB0];
	v5 =	vadd.f32 v5, v6  }
0x50: {  	v2 =	vld.idx.msk [tilespmem:v2+s13+$0x0], $0xffff  }
0x51: {  	v6 =	vld [tilespmem:s31+$0xC0];
	v3 =	vadd.f32 v3, v5  }
0x52: {  	v4 =	vld.idx.msk [tilespmem:v4+s13+$0x0], $0xffff  }
0x53: {  	v9 =	vld.idx.msk [tilespmem:v9+s13+$0x0], $0xffff;
	v1 =	vadd.f32 v1, v3  }
0x54: {  	v5 =	vld [tilespmem:s31+$0xD0]  }
0x55: {  	v3 =	vld.idx.msk [tilespmem:v8+s13+$0x0], $0xffff;
	v1 =	vadd.f32 v2, v1  }
0x56: {  	v8 =	vld.idx.msk [tilespmem:v10+s13+$0x0], $0xffff  }
0x57: {  	v2 =	vld.idx.msk [tilespmem:v7+s13+$0x0], $0xffff;
	v1 =	vadd.f32 v4, v1  }
0x58: {  	v7 =	vld [tilespmem:s31+$0xE0]  }
0x59: {  	v4 =	vld.idx.msk [tilespmem:v6+s13+$0x0], $0xffff;
	v1 =	vadd.f32 v9, v1  }
0x5a: {  	v6 =	vld [tilespmem:s31+$0xF0]  }
0x5b: {  	v1 =	vadd.f32 v3, v1;
	_ =	sdelay $0x1  }
0x5c: {  	v1 =	vadd.f32 v8, v1  }
0x5d: {  	v5 =	vld.idx.msk [tilespmem:v5+s13+$0x0], $0xffff  }
0x5e: {  	v1 =	vadd.f32 v2, v1  }
0x5f: {  	v3 =	vld.idx.msk [tilespmem:v7+s13+$0x0], $0xffff  }
0x60: {  	v1 =	vadd.f32 v4, v1  }
0x61: {  	v2 =	vld.idx.msk [tilespmem:v6+s13+$0x0], $0xffff  }
0x62: {  	v1 =	vadd.f32 v5, v1;
	_ =	sdelay $0x1  }
0x63: {  	v1 =	vadd.f32 v3, v1;
	_ =	sdelay $0x1  }
0x64: {  	v1 =	vadd.f32 v2, v1;
	_ =	sdelay $0x1  }
0x65: {  	s25 =	sadd.s32 $0x8000, s25;
	s30 =	sadd.s32 $0x1, s30;
	s1 =	smov.u32 s26;
	[tilespmem:$0x19100] =	vst v1  }
0x66: {  	s26 =	sadd.s32 $0x400, s26;
	s7 =	smulhi.u32 $0xAAAAAAAB, s29;
	_ =	swait.ge [sflag:s17], $0x4000  }
0x67: {  	s0 =	smulhi.u32 $0xAAAAAAAB, s30;
	s4 =	sadd.s32 $0xFFFFFFFF, s30;
	[sflag:s17] =	ssyncset.done $0x0  }
0x68: {  	p3 =	sge.u32 s30, s24;
	s7 =	sshrl.u32 s7, $0x1;
	[sflag:s17] =	ssyncadd.s32 $0xFFFFC000  }
0x69: {  	s0 =	sshrl.u32 s0, $0x1;
	s7 =	smul.u32 $0xFFFA0000, s7;
	_ =	swait.ge [sflag:s17], $0x4000  }
0x6a: {  	p2 =	slt.u32 s4, $0x2;
	s5 =	smul.u32 $0xFFFA0000, s0;
	[sflag:s17] =	ssyncset.done $0x0  }
0x6b: {  	s4 =	simm.s32 @!p3 $0x80;
	s0 =	simm.s32 @!p2 $0x3;
	[sflag:s17] =	ssyncadd.s32 $0xFFFFC000  }
0x6c: {  	s7 =	sshra.s32 s7, $0x2;
	s5 =	sshra.s32 s5, $0x2;
	_ =	swait.ge @!p2 [sflag:s0], $0x8000  }
0x6d: {  	s6 =	sadd.s32 s5, s25;
	s5 =	sshra.s32 @!p3 s1, $0x2;
	[sflag:s0] =	ssyncset.done @!p2 $0x0  }
0x6e: {  	s16 =	sadd.s32 @!p3 $0x8000, s6;
	s18 =	sadd.s32 @!p3 $0x100, s5;
	[sflag:s0] =	ssyncadd.s32 @!p2 $0xFFFF8000  }
0x6f: {  	[tilespmem:s16], [sflag:$0x2] =	stream.indirect.gather @!p3 [spmem:s2], $0x80, s18, s4, $0xb8;
	[tilespmem:$0x19180] =	vst v63  }
0x70: {  	s5 =	sadd.s32 @!p3 $0x180, s5;
	s6 =	sadd.s32 @!p3 $0xC000, s6;
	s31 =	rddreg [dreg:$0x6]  }
0x71: {  	[tilespmem:s6], [sflag:$0x2] =	stream.indirect.gather @!p3 [spmem:s2], $0x80, s5, s4, $0xb8;
	[tilespmem:$0x19180] =	vst v63  }
0x72: {  	p2 =	sne.s32 s31, s26;
	s31 =	sshra.s32 s1, $0x2;
	s18 =	sadd.s32 s7, s25  }
0x73: {  	[hbm4b:s28+s3] =	stream.linear.scatter [tilespmem:s18], [sflag:$0x3], $0x8000, $0x38;
	[tilespmem:$0x19180] =	vst v63  }
0x74: {  	v1 =	vld [tilespmem:s31+$0x0]  }
0x75: {  	v3 =	vld [tilespmem:s31+$0x10]  }
0x76: {  	v4 =	vld [tilespmem:s31+$0x20]  }
0x77: {  	v5 =	vld [tilespmem:s31+$0x30]  }
0x78: {  	v8 =	vld [tilespmem:s31+$0x40]  }
0x79: {  	v9 =	vld [tilespmem:$0x19100]  }
0x7a: {  	v10 =	vld [tilespmem:s31+$0x50]  }
0x7b: {  	v2 =	vld [tilespmem:s31+$0x60]  }
0x7c: {  	v1 =	vld.idx.msk [tilespmem:v1+s13+$0x0], $0xffff  }
0x7d: {  	v7 =	vld.idx.msk [tilespmem:v3+s13+$0x0], $0xffff  }
.Ltmp1:
0x7e: {  	v6 =	vld.idx.msk [tilespmem:v4+s13+$0x0], $0xffff;
	(pc) =	sbr.rel @p2 .LBB2_2-.Ltmp1, $4  }
0x7f: {  	v5 =	vld.idx.msk [tilespmem:v5+s13+$0x0], $0xffff  }
0x80: {  	v3 =	vld.idx.msk [tilespmem:v8+s13+$0x0], $0xffff  }
0x81: {  	v4 =	vld [tilespmem:s31+$0x70]  }
0x82: {  	s29 =	sadd.s32 $0x1, s29;
	s28 =	sadd.s32 $0x1000, s28;
	v8 =	vadd.f32 v1, v9;
	v1 =	vld.idx.msk [tilespmem:v10+s13+$0x0], $0xffff  }
.LBB2_3:
0x83: {  	_ = 	snop  }
0x84: {  	v7 =	vadd.f32 v7, v8  }
0x85: {  	v54 =	vld [tilespmem:s31+$0x80]  }
0x86: {  	v6 =	vadd.f32 v6, v7  }
0x87: {  	v55 =	vld [tilespmem:s31+$0x90]  }
0x88: {  	v9 =	vld [tilespmem:s31+$0xA0];
	v5 =	vadd.f32 v5, v6  }
0x89: {  	v2 =	vld.idx.msk [tilespmem:v2+s13+$0x0], $0xffff  }
0x8a: {  	v56 =	vld [tilespmem:s31+$0xB0];
	v3 =	vadd.f32 v3, v5  }
0x8b: {  	v4 =	vld.idx.msk [tilespmem:v4+s13+$0x0], $0xffff  }
0x8c: {  	v57 =	vld [tilespmem:s31+$0xC0];
	v1 =	vadd.f32 v1, v3  }
0x8d: {  	v3 =	vld.idx.msk [tilespmem:v54+s13+$0x0], $0xffff  }
0x8e: {  	v58 =	vld [tilespmem:s31+$0xD0];
	v1 =	vadd.f32 v2, v1  }
0x8f: {  	v2 =	vld.idx.msk [tilespmem:v55+s13+$0x0], $0xffff  }
0x90: {  	v60 =	vld [tilespmem:s31+$0xE0];
	v1 =	vadd.f32 v4, v1  }
0x91: {  	v59 =	vld.idx.msk [tilespmem:v9+s13+$0x0], $0xffff  }
0x92: {  	v6 =	vld.idx.msk [tilespmem:v56+s13+$0x0], $0xffff;
	v1 =	vadd.f32 v3, v1  }
0x93: {  	v3 =	vld [tilespmem:s31+$0xF0]  }
0x94: {  	v1 =	vadd.f32 v2, v1  }
0x95: {  	v2 =	vld.idx.msk [tilespmem:v57+s13+$0x0], $0xffff  }
0x96: {  	v1 =	vadd.f32 v59, v1  }
0x97: {  	v61 =	vld.idx.msk [tilespmem:v58+s13+$0x0], $0xffff  }
0x98: {  	v1 =	vadd.f32 v6, v1  }
0x99: {  	v4 =	vld.idx.msk [tilespmem:v60+s13+$0x0], $0xffff  }
0x9a: {  	v1 =	vadd.f32 v2, v1  }
0x9b: {  	v2 =	vld.idx.msk [tilespmem:v3+s13+$0x0], $0xffff  }
0x9c: {  	s0 =	smulhi.u32 $0x55555556, s24;
	v1 =	vadd.f32 v61, v1;
	_ =	sdelay $0x1  }
0x9d: {  	s0 =	smul.u32 $0x3, s0;
	v1 =	vadd.f32 v4, v1;
	_ =	sdelay $0x1  }
0x9e: {  	s0 =	ssub.s32 s24, s0;
	v1 =	vadd.f32 v2, v1  }
0x9f: {  	s0 =	sshll.u32 s0, $0xF  }
0xa0: {  	s4 =	simm.s32 @p1 $0x80;
	s5 =	simm.s32 @p1 $0xB00;
	s1 =	sor.u32 $0x1080, s0;
	[tilespmem:$0x19100] =	vst v1  }
0xa1: {  	[tilespmem:s1], [sflag:$0x2] =	stream.indirect.gather @p1 [spmem:s2], $0x80, s5, s4, $0xb8;
	[tilespmem:$0x19180] =	vst v63  }
0xa2: {  	s0 =	sadd.s32 @p1 $0x5080, s0;
	s4 =	simm.s32 @p1 $0x58;
	s5 =	simm.s32 @p1 $0xB80  }
0xa3: {  	[tilespmem:s0], [sflag:$0x2] =	stream.indirect.gather @p1 [spmem:s2], $0x80, s5, s4, $0xb8;
	[tilespmem:$0x19180] =	vst v63  }
0xa4: {  	s0 =	simm.s32 @p1 $0x2  }
0xa5: {  	_ =	swait.ge @p1 [sflag:s0], $0x4000  }
0xa6: {  	[sflag:s0] =	ssyncset.done @p1 $0x0  }
0xa7: {  	[sflag:s0] =	ssyncadd.s32 @p1 $0xFFFFC000  }
0xa8: {  	_ =	swait.ge @p1 [sflag:s0], $0x2C00  }
0xa9: {  	[sflag:s0] =	ssyncset.done @p1 $0x0  }
0xaa: {  	[sflag:s0] =	ssyncadd.s32 @p1 $0xFFFFD400  }
0xab: {  	[hbm4b:s8+s23] =	stream.linear.scatter @p1 [tilespmem:s1], [sflag:$0x3], $0x6C00, $0x38;
	[tilespmem:$0x19180] =	vst v63  }
0xac: {  	v1 =	vld @p1 [tilespmem:$0xB00]  }
0xad: {  	v2 =	vld @p1 [tilespmem:$0xB10]  }
0xae: {  	v3 =	vld @p1 [tilespmem:$0xB20]  }
0xaf: {  	v4 =	vld @p1 [tilespmem:$0x19100]  }
0xb0: {  	v5 =	vld @p1 [tilespmem:$0xB30]  }
0xb1: {  	v6 =	vld @p1 [tilespmem:$0xB40]  }
0xb2: {  	v7 =	vld @p1 [tilespmem:$0xB50]  }
0xb3: {  	v8 =	vld @p1 [tilespmem:$0xB60]  }
0xb4: {  	v9 =	vld @p1 [tilespmem:$0xB70]  }
0xb5: {  	v10 =	vld @p1 [tilespmem:$0xB80]  }
0xb6: {  	v11 =	vld @p1 [tilespmem:$0xB90]  }
0xb7: {  	s0 =	simm.s32 @p1 $0x19080;
	v12 =	vld @p1 [tilespmem:$0xBA0]  }
0xb8: {  	v1 =	vld.idx.msk @p1 [tilespmem:v1+s0+$0x0], $0xffff  }
0xb9: {  	v2 =	vld.idx.msk @p1 [tilespmem:v2+s0+$0x0], $0xffff  }
0xba: {  	v3 =	vld.idx.msk @p1 [tilespmem:v3+s0+$0x0], $0xffff  }
0xbb: {  	v5 =	vld.idx.msk @p1 [tilespmem:v5+s0+$0x0], $0xffff  }
0xbc: {  	v6 =	vld.idx.msk @p1 [tilespmem:v6+s0+$0x0], $0xffff  }
0xbd: {  	v7 =	vld.idx.msk @p1 [tilespmem:v7+s0+$0x0], $0xffff  }
0xbe: {  	v8 =	vld.idx.msk @p1 [tilespmem:v8+s0+$0x0], $0xffff  }
0xbf: {  	v9 =	vld.idx.msk @p1 [tilespmem:v9+s0+$0x0], $0xffff  }
0xc0: {  	v10 =	vld.idx.msk @p1 [tilespmem:v10+s0+$0x0], $0xffff  }
0xc1: {  	v11 =	vld.idx.msk @p1 [tilespmem:v11+s0+$0x0], $0xffff  }
0xc2: {  	s4 =	simm.s32 @!p1 $0xC00;
	v1 =	vadd.f32 @p1 v1, v4;
	v4 =	vld.idx.msk @p1 [tilespmem:v12+s0+$0x0], $0xffff;
	s0 =	simm.s32 @!p1 $0x38  }
0xc3: {  	[tilespmem:s1], [sflag:$0x2] =	stream.indirect.gather @!p1 [spmem:s2], $0x80, s4, s0, $0xb8;
	[tilespmem:$0x19180] =	vst v63  }
0xc4: {  	s0 =	simm.s32 @!p1 $0x2;
	v1 =	vadd.f32 @p1 v2, v1  }
0xc5: {  	_ =	swait.ge @!p1 [sflag:s0], $0x1C00  }
0xc6: {  	[sflag:s0] =	ssyncset.done @!p1 $0x0;
	v1 =	vadd.f32 @p1 v3, v1  }
0xc7: {  	[sflag:s0] =	ssyncadd.s32 @!p1 $0xFFFFE400;
	s0 =	rddreg [dreg:$0xa]  }
0xc8: {  	[hbm4b:s0+s22] =	stream.linear.scatter @!p1 [tilespmem:s1], [sflag:$0x3], $0x1C00, $0x38;
	v1 =	vadd.f32 @p1 v5, v1;
	[tilespmem:$0x19180] =	vst v63  }
0xc9: {  	v2 =	vld @!p1 [tilespmem:$0xC00]  }
0xca: {  	s0 =	simm.s32 @!p1 $0xC10;
	v1 =	vadd.f32 @p1 v6, v1  }
0xcb: {  	s0 =	simm.s32 @p1 $0xBB0  }
0xcc: {  	s1 =	simm.s32 @!p1 $0xC20;
	v3 =	vld [tilespmem:s0+$0x0];
	v1 =	vadd.f32 @p1 v7, v1  }
0xcd: {  	s1 =	simm.s32 @p1 $0xBC0  }
0xce: {  	v62 =	vld [tilespmem:s1+$0x0];
	v1 =	vadd.f32 @p1 v8, v1;
	_ =	sdelay $0x1  }
0xcf: {  	s0 =	simm.s32 @!p1 $0x19080;
	v6 =	vld @!p1 [tilespmem:$0x19100];
	v1 =	vadd.f32 @p1 v9, v1  }
0xd0: {  	v2 =	vld.idx.msk @!p1 [tilespmem:v2+s0+$0x0], $0xffff  }
0xd1: {  	v1 =	vadd.f32 @p1 v10, v1;
	_ =	sdelay $0x1  }
0xd2: {  	v3 =	vld.idx.msk [tilespmem:v3+s13+$0x0], $0xffff;
	v1 =	vadd.f32 @p1 v11, v1;
	_ =	sdelay $0x1  }
0xd3: {  	v63 =	vld.idx.msk [tilespmem:v62+s13+$0x0], $0xffff;
	v2 =	vadd.f32 @!p1 v2, v6;
	v1 =	vadd.f32 @p1 v4, v1;
	_ =	sdelay $0x1  }
0xd4: {  	v1 =	vpsel p1, v1, v2  }
0xd5: {  	v1 =	vadd.f32 v3, v1;
	_ =	sdelay $0x1  }
0xd6: {  	v1 =	vadd.f32 v63, v1  }
0xd7: {  	s0 =	simm.s32 @!p1 $0xC28  }
0xd8: {  	s0 =	simm.s32 @p1 $0xBC8;
	[tilespmem:$0x19100] =	vst v1  }
0xd9: {  	v2 =	vld [tilespmem:s0+$0x0];
	_ =	sdelay $0x7  }
0xda: {  	v2 =	vld.idx.msk [tilespmem:v2+s13+$0x0], $0xffff;
	_ =	sdelay $0x4  }
0xdb: {  	v2 =	vsel vm0, $0x0, v2  }
0xdc: {  	v1 =	vadd.f32 v2, v1;
	_ =	sdelay $0x1  }
0xdd: {  	s31 =	simm.s32 $0x19100;
	[tilespmem:$0x19100] =	vst v1  }
0xde: {  	[hbm4b:s9+s3] =	stream.linear.scatter [tilespmem:s31], [sflag:$0x4], $0x80, $0x38;
	[tilespmem:$0x19180] =	vst v63  }
0xdf: {  	_ =	swait.ge [sflag:s19], $0x80  }
0xe0: {  	[sflag:s19] =	ssyncset.done $0x0  }
0xe1: {  	[sflag:s19] =	ssyncadd.s32 $0xFFFFFF80  }
0xe2: {  	_ =	swait.ge [sflag:s20], $0x8000  }
0xe3: {  	[sflag:s20] =	ssyncset.done $0x0  }
0xe4: {  	[sflag:s20] =	ssyncadd.s32 $0xFFFF8000  }
0xe5: {  	_ =	swait.ge [sflag:s20], $0x8000  }
0xe6: {  	[sflag:s20] =	ssyncset.done $0x0  }
0xe7: {  	s21 =	sadd.s32 $0x1, s21;
	s0 =	simm.s32 @p1 $0x3;
	[sflag:s20] =	ssyncadd.s32 $0xFFFF8000  }
0xe8: {  	p2 =	sne.s32 s21, s10;
	_ =	swait.ge @p1 [sflag:s0], $0x6C00  }
.Ltmp2:
0xe9: {  	[sflag:s0] =	ssyncset.done @p1 $0x0;
	(pc) =	sbr.rel @p2 .LBB2_1-.Ltmp2, $4  }
0xea: {  	[sflag:s0] =	ssyncadd.s32 @p1 $0xFFFF9400;
	s0 =	simm.s32 @!p1 $0x3  }
0xeb: {  	_ =	swait.ge @!p1 [sflag:s0], $0x1C00  }
0xec: {  	[sflag:s0] =	ssyncset.done @!p1 $0x0  }
0xed: {  	[sflag:s0] =	ssyncadd.s32 @!p1 $0xFFFFE400  }
0xee: {  	_ =	sfence.sel $0x180000  }
0xef: {  	[bflag:$0x0] =	sbarrier.arrive $0xFFFF  }
0xf0: {  	_ =	strace $0x90000047  }
0xf1: {  	[bflag:$0x2] =	sbarrier.arrive $0xFFFF  }
0xf2: {  	s0 =	rddreg [dreg:$0x5]  }
0xf3: {  	s0 =	sadd.s32 @!p0 $0x100000, s0  }
0xf4: {  	[sflag:s0] =	ssyncadd.tile.s32 @!p0 $0x1;
	_ =	shalt  }
.Lfunc_end2:
_tile_overlayer_lowered:
.L_overlay_start_2:
0xf5: {  	(tag) =	ssettag $0x2  }
0xf6: {  	s0 =	rddreg [dreg:$0x0];
	s2 =	stileid.u32  }
0xf7: {  	s1 =	rddreg [dreg:$0x1];
	p0 =	sne.s32 s2, $0x0  }
0xf8: {  	s3 =	rddreg [dreg:$0x2];
	[bflag:$0x3] =	sbarrier.arrive $0xFFFF;
	s2 =	simm.s32 @!p0 $0x1C04  }
0xf9: {  	[timem:s3], [sflag:s2] =	dma.local @!p0 [hbm:s0], s1  }
0xfa: {  	s0 =	simm.s32 @!p0 $0x4  }
0xfb: {  	_ =	swait.ge @!p0 [sflag:s0], s1  }
0xfc: {  	s1 =	ssub.s32 @!p0 $0x0, s1;
	[sflag:s0] =	ssyncset.done @!p0 $0x0  }
0xfd: {  	[sflag:s0] =	ssyncadd.s32 @!p0 s1  }
0xfe: {  	[bflag:$0x3] =	sbarrier.arrive $0xFFFF  }
0xff: {  	_ =	shalt  }

</sc_bundles>
